<compile_context>
chip_gen: v7x
topology: tpu7x:2x2x1
jax: 0.10.2.dev20260603
libtpu: 0.0.44.dev20260713+nightly
codegen_flags: <defaults>
</compile_context>

<pallas_src>
import functools

import jax
import jax.numpy as jnp
from jax import lax
from jax.experimental import pallas as pl
from jax.experimental.pallas import tpu as pltpu
from jax.experimental.pallas import tpu_sc as plsc

RANK = 32
NMODE = 3
LANES = 16

_info = plsc.get_sparse_core_info()
_NC, _NS = _info.num_cores, _info.num_subcores
_NW = _NC * _NS


def _make_kernel(batch: int):
    bpw = batch // _NW

    mesh = plsc.VectorSubcoreMesh(core_axis_name="c", subcore_axis_name="s")

    @functools.partial(
        pl.kernel,
        mesh=mesh,
        out_type=jax.ShapeDtypeStruct((batch,), jnp.float32),
        compiler_params=pltpu.CompilerParams(
            needs_layout_passes=False, use_tc_tiling_on_sc=False),
        scratch_types=[
            pltpu.VMEM((bpw * NMODE,), jnp.int32),
            pltpu.VMEM((bpw,), jnp.int32),
            pltpu.VMEM((bpw,), jnp.int32),
            pltpu.VMEM((bpw,), jnp.int32),
            pltpu.VMEM((bpw, RANK), jnp.float32),
            pltpu.VMEM((bpw, RANK), jnp.float32),
            pltpu.VMEM((bpw, RANK), jnp.float32),
            pltpu.VMEM((bpw,), jnp.float32),
            pltpu.SemaphoreType.DMA,
            pltpu.SemaphoreType.DMA,
            pltpu.SemaphoreType.DMA,
        ],
    )
    def cpd_kernel(idx_hbm, e0_hbm, e1_hbm, e2_hbm, out_hbm,
                   iflat_v, i0_v, i1_v, i2_v, r0_v, r1_v, r2_v, out_v,
                   sem0, sem1, sem2):
        wid = lax.axis_index("s") * _NC + lax.axis_index("c")
        base = wid * bpw

        pltpu.sync_copy(idx_hbm.at[pl.ds(base * NMODE, bpw * NMODE)], iflat_v)

        lane = lax.iota(jnp.int32, LANES)

        def deint_body(g, carry):
            flat0 = (g * LANES + lane) * NMODE
            i0_v[pl.ds(g * LANES, LANES)] = plsc.load_gather(iflat_v, [flat0])
            i1_v[pl.ds(g * LANES, LANES)] = plsc.load_gather(iflat_v, [flat0 + 1])
            i2_v[pl.ds(g * LANES, LANES)] = plsc.load_gather(iflat_v, [flat0 + 2])
            return carry

        lax.fori_loop(0, bpw // LANES, deint_body, 0)

        cp0 = pltpu.async_copy(e0_hbm.at[i0_v], r0_v, sem0)
        cp1 = pltpu.async_copy(e1_hbm.at[i1_v], r1_v, sem1)
        cp2 = pltpu.async_copy(e2_hbm.at[i2_v], r2_v, sem2)
        cp0.wait()
        cp1.wait()
        cp2.wait()

        def group_body(g, carry):
            b0 = g * LANES
            acc = jnp.zeros((LANES,), jnp.float32)
            for j in range(LANES):
                b = b0 + j
                lo = (r0_v[b, pl.ds(0, LANES)] * r1_v[b, pl.ds(0, LANES)]
                      * r2_v[b, pl.ds(0, LANES)])
                hi = (r0_v[b, pl.ds(LANES, LANES)] * r1_v[b, pl.ds(LANES, LANES)]
                      * r2_v[b, pl.ds(LANES, LANES)])
                acc = jnp.where(lane == j, jnp.sum(lo + hi), acc)
            out_v[pl.ds(b0, LANES)] = acc
            return carry

        lax.fori_loop(0, bpw // LANES, group_body, 0)

        pltpu.sync_copy(out_v, out_hbm.at[pl.ds(base, bpw)])

    return cpd_kernel


def kernel(idxs, E0, E1, E2):
    batch = idxs.shape[0]
    idx_flat = idxs.astype(jnp.int32).reshape(batch * NMODE)
    return _make_kernel(batch)(idx_flat, E0, E1, E2)

# --- scband reference (transcript-rebuilt; emitter-appended) ---
"""Pipeline reference for scband-cpd-55027120996550 (READ-ONLY COPY).

The authoritative reference and input builder live on the scoring server;
editing this copy changes nothing except your own understanding.
"""

import jax, jax.numpy as jnp
import numpy as np

RANK = 32
SIZES = [1000000, 1000000, 1000000]
BATCH = 16384


def setup_inputs(seed: int = 0) -> dict:
    key = jax.random.key(seed)
    k_idx, k0, k1, k2 = jax.random.split(key, 4)
    idxs = jax.random.randint(k_idx, (BATCH, len(SIZES)), 0, min(SIZES), dtype=jnp.int64) if jax.config.jax_enable_x64 else jax.random.randint(k_idx, (BATCH, len(SIZES)), 0, min(SIZES), dtype=jnp.int32)
    E0 = jax.random.normal(k0, (SIZES[0], RANK), dtype=jnp.float32)
    E1 = jax.random.normal(k1, (SIZES[1], RANK), dtype=jnp.float32)
    E2 = jax.random.normal(k2, (SIZES[2], RANK), dtype=jnp.float32)
    return {"idxs": idxs, "E0": E0, "E1": E1, "E2": E2}


def reference(idxs, E0, E1, E2):
    # CPD reconstruction: gather one row per mode, Hadamard product over modes,
    # then sum over rank dimension.
    tables = [E0, E1, E2]
    facs = [jnp.take(tables[m], idxs[:, m], axis=0)[..., None] for m in range(len(tables))]  # each [B, R, 1]
    concat = jnp.concatenate(facs, axis=-1)  # [B, R, nmode]
    rec = jnp.prod(concat, axis=-1)          # [B, R]
    return rec.sum(-1)                        # [B]

if __name__ == "__main__":
    import jax
    _d = setup_inputs()
    print(jax.jit(kernel)(*tuple(_d.values())))

</pallas_src>

<mosaic_0001>
#map = affine_map<(d0, d1) -> (0)>
#map1 = affine_map<(d0, d1) -> (0, 0)>
module attributes {stable_mosaic.version = 14 : i64} {
  func.func @cpd_kernel(%arg0: i32, %arg1: i32, %arg2: memref<49152xi32, #tpu.memory_space<hbm>>, %arg3: memref<1000000x32xf32, #tpu.memory_space<hbm>>, %arg4: memref<1000000x32xf32, #tpu.memory_space<hbm>>, %arg5: memref<1000000x32xf32, #tpu.memory_space<hbm>>, %arg6: memref<16384xf32, #tpu.memory_space<hbm>>, %arg7: memref<1536xi32, #tpu.memory_space<vmem>>, %arg8: memref<512xi32, #tpu.memory_space<vmem>>, %arg9: memref<512xi32, #tpu.memory_space<vmem>>, %arg10: memref<512xi32, #tpu.memory_space<vmem>>, %arg11: memref<512x32xf32, #tpu.memory_space<vmem>>, %arg12: memref<512x32xf32, #tpu.memory_space<vmem>>, %arg13: memref<512x32xf32, #tpu.memory_space<vmem>>, %arg14: memref<512xf32, #tpu.memory_space<vmem>>, %arg15: memref<!tpu.dma_semaphore, #tpu.memory_space<semaphore_mem>>, %arg16: memref<!tpu.dma_semaphore, #tpu.memory_space<semaphore_mem>>, %arg17: memref<!tpu.dma_semaphore, #tpu.memory_space<semaphore_mem>>) attributes {dimension_semantics = [#tpu.dimension_semantics<core_parallel>, #tpu.dimension_semantics<subcore_parallel>], iteration_bounds = array<i64: 2, 16>, scalar_prefetch = 0 : i64, scratch_operands = 11 : i64, tpu.core_type = #tpu.core_type<sc_vector_subcore>, window_params = [{transform_indices = #map}, {transform_indices = #map1}, {transform_indices = #map1}, {transform_indices = #map1}, {transform_indices = #map}]} {
    %mul3A = arith.constant 2 : i32
    %mul3A_0 = arith.muli %arg1, %mul3A : i32
    %add3A = arith.addi %mul3A_0, %arg0 : i32
    %mul3A_1 = arith.constant 512 : i32
    %mul3A_2 = arith.muli %add3A, %mul3A_1 : i32
    %mul3A_3 = arith.constant 3 : i32
    %mul3A_4 = arith.muli %mul3A_2, %mul3A_3 : i32
    "tpu.region"() ({
      %run_scoped3A = tpu.sem_alloc : memref<!tpu.dma_semaphore, #tpu.memory_space<semaphore_mem>>
      %dma_start3A_32 = tpu.memref_slice %arg2[%mul3A_4] : memref<49152xi32, #tpu.memory_space<hbm>> -> memref<1536xi32, #tpu.memory_space<hbm>>
      %dma_start3A_33 = tpu.memref_slice %arg2[%mul3A_4] : memref<49152xi32, #tpu.memory_space<hbm>> -> memref<1536xi32, #tpu.memory_space<hbm>>
      tpu.enqueue_dma source(%dma_start3A_33 : memref<1536xi32, #tpu.memory_space<hbm>>) target(%arg7 : memref<1536xi32, #tpu.memory_space<vmem>>) target_semaphore(%run_scoped3A : memref<!tpu.dma_semaphore, #tpu.memory_space<semaphore_mem>>)
      %dma_wait3A_34 = tpu.memref_slice %arg2[%mul3A_4] : memref<49152xi32, #tpu.memory_space<hbm>> -> memref<1536xi32, #tpu.memory_space<hbm>>
      %dma_wait3A_35 = tpu.memref_slice %arg2[%mul3A_4] : memref<49152xi32, #tpu.memory_space<hbm>> -> memref<1536xi32, #tpu.memory_space<hbm>>
      tpu.wait_dma2 semaphore(%run_scoped3A : memref<!tpu.dma_semaphore, #tpu.memory_space<semaphore_mem>>) src(%dma_wait3A_35 : memref<1536xi32, #tpu.memory_space<hbm>>) dst(%arg7 : memref<1536xi32, #tpu.memory_space<vmem>>)
      tpu.yield
    }) : () -> ()
    %iota3A = tpu.iota {dimensions = array<i32: 0>} : vector<16xi32>
    %scan3A = arith.constant 0 : i32
    %scan3A_5 = arith.constant 0 : i32
    %scan3A_6 = arith.constant 32 : i32
    %scan3A_7 = arith.addi %scan3A_5, %scan3A_6 : i32
    %scan3A_8 = arith.constant 1 : i32
    scf.for %scan3A_32 = %scan3A_5 to %scan3A_7 step %scan3A_8  : i32 {
      %mul3A_33 = arith.constant 16 : i32
      %mul3A_34 = arith.muli %scan3A_32, %mul3A_33 : i32
      %add3A_35 = vector.broadcast %mul3A_34 : i32 to vector<16xi32>
      %add3A_36 = arith.addi %add3A_35, %iota3A : vector<16xi32>
      %mul3A_37 = arith.constant 3 : i32
      %mul3A_38 = vector.broadcast %mul3A_37 : i32 to vector<16xi32>
      %mul3A_39 = arith.muli %add3A_36, %mul3A_38 : vector<16xi32>
      %gather3A = tpu.vector_load_idx %arg7[%mul3A_39] : memref<1536xi32, #tpu.memory_space<vmem>>[vector<16xi32>], vector<16xi32>,
      %mul3A_40 = arith.constant 16 : i32
      %mul3A_41 = arith.muli %scan3A_32, %mul3A_40 : i32
      %swap3A = arith.index_cast %mul3A_41 : i32 to index
      %swap3A_42 = tpu.vector_load %arg8[%swap3A] {strides = array<i32>} : memref<512xi32, #tpu.memory_space<vmem>>, vector<16xi32>,
      tpu.vector_store %arg8[%swap3A], %gather3A {strides = array<i32>} : memref<512xi32, #tpu.memory_space<vmem>>, vector<16xi32>,
      %add3A_43 = arith.constant 1 : i32
      %add3A_44 = vector.broadcast %add3A_43 : i32 to vector<16xi32>
      %add3A_45 = arith.addi %mul3A_39, %add3A_44 : vector<16xi32>
      %gather3A_46 = tpu.vector_load_idx %arg7[%add3A_45] : memref<1536xi32, #tpu.memory_space<vmem>>[vector<16xi32>], vector<16xi32>,
      %mul3A_47 = arith.constant 16 : i32
      %mul3A_48 = arith.muli %scan3A_32, %mul3A_47 : i32
      %swap3A_49 = arith.index_cast %mul3A_48 : i32 to index
      %swap3A_50 = tpu.vector_load %arg9[%swap3A_49] {strides = array<i32>} : memref<512xi32, #tpu.memory_space<vmem>>, vector<16xi32>,
      tpu.vector_store %arg9[%swap3A_49], %gather3A_46 {strides = array<i32>} : memref<512xi32, #tpu.memory_space<vmem>>, vector<16xi32>,
      %add3A_51 = arith.constant 2 : i32
      %add3A_52 = vector.broadcast %add3A_51 : i32 to vector<16xi32>
      %add3A_53 = arith.addi %mul3A_39, %add3A_52 : vector<16xi32>
      %gather3A_54 = tpu.vector_load_idx %arg7[%add3A_53] : memref<1536xi32, #tpu.memory_space<vmem>>[vector<16xi32>], vector<16xi32>,
      %mul3A_55 = arith.constant 16 : i32
      %mul3A_56 = arith.muli %scan3A_32, %mul3A_55 : i32
      %swap3A_57 = arith.index_cast %mul3A_56 : i32 to index
      %swap3A_58 = tpu.vector_load %arg10[%swap3A_57] {strides = array<i32>} : memref<512xi32, #tpu.memory_space<vmem>>, vector<16xi32>,
      tpu.vector_store %arg10[%swap3A_57], %gather3A_54 {strides = array<i32>} : memref<512xi32, #tpu.memory_space<vmem>>, vector<16xi32>,
    }
    %scan3A_9 = arith.constant 32 : i32
    %dma_start3A = arith.constant 0 : i32
    %dma_start3A_10 = arith.constant 0 : i32
    %dma_start3A_11 = tpu.memref_slice %arg3[%dma_start3A, %dma_start3A_10] : memref<1000000x32xf32, #tpu.memory_space<hbm>> -> memref<1000000x32xf32, #tpu.memory_space<hbm>>
    tpu.enqueue_indirect_dma source(%dma_start3A_11 : memref<1000000x32xf32, #tpu.memory_space<hbm>>) target(%arg11 : memref<512x32xf32, #tpu.memory_space<vmem>>) offsets(%arg8 : memref<512xi32, #tpu.memory_space<vmem>>) semaphore(%arg15 : memref<!tpu.dma_semaphore, #tpu.memory_space<semaphore_mem>>)
    %dma_start3A_12 = arith.constant 0 : i32
    %dma_start3A_13 = arith.constant 0 : i32
    %dma_start3A_14 = tpu.memref_slice %arg4[%dma_start3A_12, %dma_start3A_13] : memref<1000000x32xf32, #tpu.memory_space<hbm>> -> memref<1000000x32xf32, #tpu.memory_space<hbm>>
    tpu.enqueue_indirect_dma source(%dma_start3A_14 : memref<1000000x32xf32, #tpu.memory_space<hbm>>) target(%arg12 : memref<512x32xf32, #tpu.memory_space<vmem>>) offsets(%arg9 : memref<512xi32, #tpu.memory_space<vmem>>) semaphore(%arg16 : memref<!tpu.dma_semaphore, #tpu.memory_space<semaphore_mem>>)
    %dma_start3A_15 = arith.constant 0 : i32
    %dma_start3A_16 = arith.constant 0 : i32
    %dma_start3A_17 = tpu.memref_slice %arg5[%dma_start3A_15, %dma_start3A_16] : memref<1000000x32xf32, #tpu.memory_space<hbm>> -> memref<1000000x32xf32, #tpu.memory_space<hbm>>
    tpu.enqueue_indirect_dma source(%dma_start3A_17 : memref<1000000x32xf32, #tpu.memory_space<hbm>>) target(%arg13 : memref<512x32xf32, #tpu.memory_space<vmem>>) offsets(%arg10 : memref<512xi32, #tpu.memory_space<vmem>>) semaphore(%arg17 : memref<!tpu.dma_semaphore, #tpu.memory_space<semaphore_mem>>)
    %dma_wait3A = arith.constant 0 : i32
    %dma_wait3A_18 = arith.constant 0 : i32
    %dma_wait3A_19 = tpu.memref_slice %arg3[%dma_wait3A, %dma_wait3A_18] : memref<1000000x32xf32, #tpu.memory_space<hbm>> -> memref<1000000x32xf32, #tpu.memory_space<hbm>>
    tpu.wait_indirect_dma semaphore(%arg15 : memref<!tpu.dma_semaphore, #tpu.memory_space<semaphore_mem>>) src(%dma_wait3A_19 : memref<1000000x32xf32, #tpu.memory_space<hbm>>) dst(%arg11 : memref<512x32xf32, #tpu.memory_space<vmem>>)
    %dma_wait3A_20 = arith.constant 0 : i32
    %dma_wait3A_21 = arith.constant 0 : i32
    %dma_wait3A_22 = tpu.memref_slice %arg4[%dma_wait3A_20, %dma_wait3A_21] : memref<1000000x32xf32, #tpu.memory_space<hbm>> -> memref<1000000x32xf32, #tpu.memory_space<hbm>>
    tpu.wait_indirect_dma semaphore(%arg16 : memref<!tpu.dma_semaphore, #tpu.memory_space<semaphore_mem>>) src(%dma_wait3A_22 : memref<1000000x32xf32, #tpu.memory_space<hbm>>) dst(%arg12 : memref<512x32xf32, #tpu.memory_space<vmem>>)
    %dma_wait3A_23 = arith.constant 0 : i32
    %dma_wait3A_24 = arith.constant 0 : i32
    %dma_wait3A_25 = tpu.memref_slice %arg5[%dma_wait3A_23, %dma_wait3A_24] : memref<1000000x32xf32, #tpu.memory_space<hbm>> -> memref<1000000x32xf32, #tpu.memory_space<hbm>>
    tpu.wait_indirect_dma semaphore(%arg17 : memref<!tpu.dma_semaphore, #tpu.memory_space<semaphore_mem>>) src(%dma_wait3A_25 : memref<1000000x32xf32, #tpu.memory_space<hbm>>) dst(%arg13 : memref<512x32xf32, #tpu.memory_space<vmem>>)
    %scan3A_26 = arith.constant 0 : i32
    %scan3A_27 = arith.constant 0 : i32
    %scan3A_28 = arith.constant 32 : i32
    %scan3A_29 = arith.addi %scan3A_27, %scan3A_28 : i32
    %scan3A_30 = arith.constant 1 : i32
    scf.for %scan3A_32 = %scan3A_27 to %scan3A_29 step %scan3A_30  : i32 {
      %mul3A_33 = arith.constant 16 : i32
      %mul3A_34 = arith.muli %scan3A_32, %mul3A_33 : i32
      %broadcast_in_dim3A = arith.constant 0.000000e+00 : f32
      %broadcast_in_dim3A_35 = vector.broadcast %broadcast_in_dim3A : f32 to vector<16xf32>
      %add3A_36 = arith.constant 0 : i32
      %add3A_37 = arith.addi %mul3A_34, %add3A_36 : i32
      %get3A = arith.index_cast %add3A_37 : i32 to index
      %get3A_38 = arith.constant 0 : index
      %get3A_39 = tpu.vector_load %arg11[%get3A, %get3A_38] {strides = array<i32>} : memref<512x32xf32, #tpu.memory_space<vmem>>, vector<16xf32>,
      %get3A_40 = arith.index_cast %add3A_37 : i32 to index
      %get3A_41 = arith.constant 0 : index
      %get3A_42 = tpu.vector_load %arg12[%get3A_40, %get3A_41] {strides = array<i32>} : memref<512x32xf32, #tpu.memory_space<vmem>>, vector<16xf32>,
      %mul3A_43 = arith.mulf %get3A_39, %get3A_42 : vector<16xf32>
      %get3A_44 = arith.index_cast %add3A_37 : i32 to index
      %get3A_45 = arith.constant 0 : index
      %get3A_46 = tpu.vector_load %arg13[%get3A_44, %get3A_45] {strides = array<i32>} : memref<512x32xf32, #tpu.memory_space<vmem>>, vector<16xf32>,
      %mul3A_47 = arith.mulf %mul3A_43, %get3A_46 : vector<16xf32>
      %get3A_48 = arith.index_cast %add3A_37 : i32 to index
      %get3A_49 = arith.constant 16 : index
      %get3A_50 = tpu.vector_load %arg11[%get3A_48, %get3A_49] {strides = array<i32>} : memref<512x32xf32, #tpu.memory_space<vmem>>, vector<16xf32>,
      %get3A_51 = arith.index_cast %add3A_37 : i32 to index
      %get3A_52 = arith.constant 16 : index
      %get3A_53 = tpu.vector_load %arg12[%get3A_51, %get3A_52] {strides = array<i32>} : memref<512x32xf32, #tpu.memory_space<vmem>>, vector<16xf32>,
      %mul3A_54 = arith.mulf %get3A_50, %get3A_53 : vector<16xf32>
      %get3A_55 = arith.index_cast %add3A_37 : i32 to index
      %get3A_56 = arith.constant 16 : index
      %get3A_57 = tpu.vector_load %arg13[%get3A_55, %get3A_56] {strides = array<i32>} : memref<512x32xf32, #tpu.memory_space<vmem>>, vector<16xf32>,
      %mul3A_58 = arith.mulf %mul3A_54, %get3A_57 : vector<16xf32>
      %eq3A = arith.constant 0 : i32
      %eq3A_59 = vector.broadcast %eq3A : i32 to vector<16xi32>
      %eq3A_60 = arith.cmpi eq, %iota3A, %eq3A_59 : vector<16xi32>
      %add3A_61 = arith.addf %mul3A_47, %mul3A_58 : vector<16xf32>
      %reduce_sum3A = arith.constant true
      %reduce_sum3A_62 = vector.broadcast %reduce_sum3A : i1 to vector<16xi1>
      %reduce_sum3A_63 = tpu.scan <sum>, %add3A_61 masked %reduce_sum3A_62 : vector<16xf32>, vector<16xi1> -> vector<16xf32>
      %reduce_sum3A_64 = vector.extract %reduce_sum3A_63[15] : f32 from vector<16xf32>
      %broadcast_in_dim3A_65 = vector.broadcast %reduce_sum3A_64 : f32 to vector<16xf32>
      %select_n3A = arith.select %eq3A_60, %broadcast_in_dim3A_65, %broadcast_in_dim3A_35 : vector<16xi1>, vector<16xf32>
      %add3A_66 = arith.constant 1 : i32
      %add3A_67 = arith.addi %mul3A_34, %add3A_66 : i32
      %get3A_68 = arith.index_cast %add3A_67 : i32 to index
      %get3A_69 = arith.constant 0 : index
      %get3A_70 = tpu.vector_load %arg11[%get3A_68, %get3A_69] {strides = array<i32>} : memref<512x32xf32, #tpu.memory_space<vmem>>, vector<16xf32>,
      %get3A_71 = arith.index_cast %add3A_67 : i32 to index
      %get3A_72 = arith.constant 0 : index
      %get3A_73 = tpu.vector_load %arg12[%get3A_71, %get3A_72] {strides = array<i32>} : memref<512x32xf32, #tpu.memory_space<vmem>>, vector<16xf32>,
      %mul3A_74 = arith.mulf %get3A_70, %get3A_73 : vector<16xf32>
      %get3A_75 = arith.index_cast %add3A_67 : i32 to index
      %get3A_76 = arith.constant 0 : index
      %get3A_77 = tpu.vector_load %arg13[%get3A_75, %get3A_76] {strides = array<i32>} : memref<512x32xf32, #tpu.memory_space<vmem>>, vector<16xf32>,
      %mul3A_78 = arith.mulf %mul3A_74, %get3A_77 : vector<16xf32>
      %get3A_79 = arith.index_cast %add3A_67 : i32 to index
      %get3A_80 = arith.constant 16 : index
      %get3A_81 = tpu.vector_load %arg11[%get3A_79, %get3A_80] {strides = array<i32>} : memref<512x32xf32, #tpu.memory_space<vmem>>, vector<16xf32>,
      %get3A_82 = arith.index_cast %add3A_67 : i32 to index
      %get3A_83 = arith.constant 16 : index
      %get3A_84 = tpu.vector_load %arg12[%get3A_82, %get3A_83] {strides = array<i32>} : memref<512x32xf32, #tpu.memory_space<vmem>>, vector<16xf32>,
      %mul3A_85 = arith.mulf %get3A_81, %get3A_84 : vector<16xf32>
      %get3A_86 = arith.index_cast %add3A_67 : i32 to index
      %get3A_87 = arith.constant 16 : index
      %get3A_88 = tpu.vector_load %arg13[%get3A_86, %get3A_87] {strides = array<i32>} : memref<512x32xf32, #tpu.memory_space<vmem>>, vector<16xf32>,
      %mul3A_89 = arith.mulf %mul3A_85, %get3A_88 : vector<16xf32>
      %eq3A_90 = arith.constant 1 : i32
      %eq3A_91 = vector.broadcast %eq3A_90 : i32 to vector<16xi32>
      %eq3A_92 = arith.cmpi eq, %iota3A, %eq3A_91 : vector<16xi32>
      %add3A_93 = arith.addf %mul3A_78, %mul3A_89 : vector<16xf32>
      %reduce_sum3A_94 = arith.constant true
      %reduce_sum3A_95 = vector.broadcast %reduce_sum3A_94 : i1 to vector<16xi1>
      %reduce_sum3A_96 = tpu.scan <sum>, %add3A_93 masked %reduce_sum3A_95 : vector<16xf32>, vector<16xi1> -> vector<16xf32>
      %reduce_sum3A_97 = vector.extract %reduce_sum3A_96[15] : f32 from vector<16xf32>
      %broadcast_in_dim3A_98 = vector.broadcast %reduce_sum3A_97 : f32 to vector<16xf32>
      %select_n3A_99 = arith.select %eq3A_92, %broadcast_in_dim3A_98, %select_n3A : vector<16xi1>, vector<16xf32>
      %add3A_100 = arith.constant 2 : i32
      %add3A_101 = arith.addi %mul3A_34, %add3A_100 : i32
      %get3A_102 = arith.index_cast %add3A_101 : i32 to index
      %get3A_103 = arith.constant 0 : index
      %get3A_104 = tpu.vector_load %arg11[%get3A_102, %get3A_103] {strides = array<i32>} : memref<512x32xf32, #tpu.memory_space<vmem>>, vector<16xf32>,
      %get3A_105 = arith.index_cast %add3A_101 : i32 to index
      %get3A_106 = arith.constant 0 : index
      %get3A_107 = tpu.vector_load %arg12[%get3A_105, %get3A_106] {strides = array<i32>} : memref<512x32xf32, #tpu.memory_space<vmem>>, vector<16xf32>,
      %mul3A_108 = arith.mulf %get3A_104, %get3A_107 : vector<16xf32>
      %get3A_109 = arith.index_cast %add3A_101 : i32 to index
      %get3A_110 = arith.constant 0 : index
      %get3A_111 = tpu.vector_load %arg13[%get3A_109, %get3A_110] {strides = array<i32>} : memref<512x32xf32, #tpu.memory_space<vmem>>, vector<16xf32>,
      %mul3A_112 = arith.mulf %mul3A_108, %get3A_111 : vector<16xf32>
      %get3A_113 = arith.index_cast %add3A_101 : i32 to index
      %get3A_114 = arith.constant 16 : index
      %get3A_115 = tpu.vector_load %arg11[%get3A_113, %get3A_114] {strides = array<i32>} : memref<512x32xf32, #tpu.memory_space<vmem>>, vector<16xf32>,
      %get3A_116 = arith.index_cast %add3A_101 : i32 to index
      %get3A_117 = arith.constant 16 : index
      %get3A_118 = tpu.vector_load %arg12[%get3A_116, %get3A_117] {strides = array<i32>} : memref<512x32xf32, #tpu.memory_space<vmem>>, vector<16xf32>,
      %mul3A_119 = arith.mulf %get3A_115, %get3A_118 : vector<16xf32>
      %get3A_120 = arith.index_cast %add3A_101 : i32 to index
      %get3A_121 = arith.constant 16 : index
      %get3A_122 = tpu.vector_load %arg13[%get3A_120, %get3A_121] {strides = array<i32>} : memref<512x32xf32, #tpu.memory_space<vmem>>, vector<16xf32>,
      %mul3A_123 = arith.mulf %mul3A_119, %get3A_122 : vector<16xf32>
      %eq3A_124 = arith.constant 2 : i32
      %eq3A_125 = vector.broadcast %eq3A_124 : i32 to vector<16xi32>
      %eq3A_126 = arith.cmpi eq, %iota3A, %eq3A_125 : vector<16xi32>
      %add3A_127 = arith.addf %mul3A_112, %mul3A_123 : vector<16xf32>
      %reduce_sum3A_128 = arith.constant true
      %reduce_sum3A_129 = vector.broadcast %reduce_sum3A_128 : i1 to vector<16xi1>
      %reduce_sum3A_130 = tpu.scan <sum>, %add3A_127 masked %reduce_sum3A_129 : vector<16xf32>, vector<16xi1> -> vector<16xf32>
      %reduce_sum3A_131 = vector.extract %reduce_sum3A_130[15] : f32 from vector<16xf32>
      %broadcast_in_dim3A_132 = vector.broadcast %reduce_sum3A_131 : f32 to vector<16xf32>
      %select_n3A_133 = arith.select %eq3A_126, %broadcast_in_dim3A_132, %select_n3A_99 : vector<16xi1>, vector<16xf32>
      %add3A_134 = arith.constant 3 : i32
      %add3A_135 = arith.addi %mul3A_34, %add3A_134 : i32
      %get3A_136 = arith.index_cast %add3A_135 : i32 to index
      %get3A_137 = arith.constant 0 : index
      %get3A_138 = tpu.vector_load %arg11[%get3A_136, %get3A_137] {strides = array<i32>} : memref<512x32xf32, #tpu.memory_space<vmem>>, vector<16xf32>,
      %get3A_139 = arith.index_cast %add3A_135 : i32 to index
      %get3A_140 = arith.constant 0 : index
      %get3A_141 = tpu.vector_load %arg12[%get3A_139, %get3A_140] {strides = array<i32>} : memref<512x32xf32, #tpu.memory_space<vmem>>, vector<16xf32>,
      %mul3A_142 = arith.mulf %get3A_138, %get3A_141 : vector<16xf32>
      %get3A_143 = arith.index_cast %add3A_135 : i32 to index
      %get3A_144 = arith.constant 0 : index
      %get3A_145 = tpu.vector_load %arg13[%get3A_143, %get3A_144] {strides = array<i32>} : memref<512x32xf32, #tpu.memory_space<vmem>>, vector<16xf32>,
      %mul3A_146 = arith.mulf %mul3A_142, %get3A_145 : vector<16xf32>
      %get3A_147 = arith.index_cast %add3A_135 : i32 to index
      %get3A_148 = arith.constant 16 : index
      %get3A_149 = tpu.vector_load %arg11[%get3A_147, %get3A_148] {strides = array<i32>} : memref<512x32xf32, #tpu.memory_space<vmem>>, vector<16xf32>,
      %get3A_150 = arith.index_cast %add3A_135 : i32 to index
      %get3A_151 = arith.constant 16 : index
      %get3A_152 = tpu.vector_load %arg12[%get3A_150, %get3A_151] {strides = array<i32>} : memref<512x32xf32, #tpu.memory_space<vmem>>, vector<16xf32>,
      %mul3A_153 = arith.mulf %get3A_149, %get3A_152 : vector<16xf32>
      %get3A_154 = arith.index_cast %add3A_135 : i32 to index
      %get3A_155 = arith.constant 16 : index
      %get3A_156 = tpu.vector_load %arg13[%get3A_154, %get3A_155] {strides = array<i32>} : memref<512x32xf32, #tpu.memory_space<vmem>>, vector<16xf32>,
      %mul3A_157 = arith.mulf %mul3A_153, %get3A_156 : vector<16xf32>
      %eq3A_158 = arith.constant 3 : i32
      %eq3A_159 = vector.broadcast %eq3A_158 : i32 to vector<16xi32>
      %eq3A_160 = arith.cmpi eq, %iota3A, %eq3A_159 : vector<16xi32>
      %add3A_161 = arith.addf %mul3A_146, %mul3A_157 : vector<16xf32>
      %reduce_sum3A_162 = arith.constant true
      %reduce_sum3A_163 = vector.broadcast %reduce_sum3A_162 : i1 to vector<16xi1>
      %reduce_sum3A_164 = tpu.scan <sum>, %add3A_161 masked %reduce_sum3A_163 : vector<16xf32>, vector<16xi1> -> vector<16xf32>
      %reduce_sum3A_165 = vector.extract %reduce_sum3A_164[15] : f32 from vector<16xf32>
      %broadcast_in_dim3A_166 = vector.broadcast %reduce_sum3A_165 : f32 to vector<16xf32>
      %select_n3A_167 = arith.select %eq3A_160, %broadcast_in_dim3A_166, %select_n3A_133 : vector<16xi1>, vector<16xf32>
      %add3A_168 = arith.constant 4 : i32
      %add3A_169 = arith.addi %mul3A_34, %add3A_168 : i32
      %get3A_170 = arith.index_cast %add3A_169 : i32 to index
      %get3A_171 = arith.constant 0 : index
      %get3A_172 = tpu.vector_load %arg11[%get3A_170, %get3A_171] {strides = array<i32>} : memref<512x32xf32, #tpu.memory_space<vmem>>, vector<16xf32>,
      %get3A_173 = arith.index_cast %add3A_169 : i32 to index
      %get3A_174 = arith.constant 0 : index
      %get3A_175 = tpu.vector_load %arg12[%get3A_173, %get3A_174] {strides = array<i32>} : memref<512x32xf32, #tpu.memory_space<vmem>>, vector<16xf32>,
      %mul3A_176 = arith.mulf %get3A_172, %get3A_175 : vector<16xf32>
      %get3A_177 = arith.index_cast %add3A_169 : i32 to index
      %get3A_178 = arith.constant 0 : index
      %get3A_179 = tpu.vector_load %arg13[%get3A_177, %get3A_178] {strides = array<i32>} : memref<512x32xf32, #tpu.memory_space<vmem>>, vector<16xf32>,
      %mul3A_180 = arith.mulf %mul3A_176, %get3A_179 : vector<16xf32>
      %get3A_181 = arith.index_cast %add3A_169 : i32 to index
      %get3A_182 = arith.constant 16 : index
      %get3A_183 = tpu.vector_load %arg11[%get3A_181, %get3A_182] {strides = array<i32>} : memref<512x32xf32, #tpu.memory_space<vmem>>, vector<16xf32>,
      %get3A_184 = arith.index_cast %add3A_169 : i32 to index
      %get3A_185 = arith.constant 16 : index
      %get3A_186 = tpu.vector_load %arg12[%get3A_184, %get3A_185] {strides = array<i32>} : memref<512x32xf32, #tpu.memory_space<vmem>>, vector<16xf32>,
      %mul3A_187 = arith.mulf %get3A_183, %get3A_186 : vector<16xf32>
      %get3A_188 = arith.index_cast %add3A_169 : i32 to index
      %get3A_189 = arith.constant 16 : index
      %get3A_190 = tpu.vector_load %arg13[%get3A_188, %get3A_189] {strides = array<i32>} : memref<512x32xf32, #tpu.memory_space<vmem>>, vector<16xf32>,
      %mul3A_191 = arith.mulf %mul3A_187, %get3A_190 : vector<16xf32>
      %eq3A_192 = arith.constant 4 : i32
      %eq3A_193 = vector.broadcast %eq3A_192 : i32 to vector<16xi32>
      %eq3A_194 = arith.cmpi eq, %iota3A, %eq3A_193 : vector<16xi32>
      %add3A_195 = arith.addf %mul3A_180, %mul3A_191 : vector<16xf32>
      %reduce_sum3A_196 = arith.constant true
      %reduce_sum3A_197 = vector.broadcast %reduce_sum3A_196 : i1 to vector<16xi1>
      %reduce_sum3A_198 = tpu.scan <sum>, %add3A_195 masked %reduce_sum3A_197 : vector<16xf32>, vector<16xi1> -> vector<16xf32>
      %reduce_sum3A_199 = vector.extract %reduce_sum3A_198[15] : f32 from vector<16xf32>
      %broadcast_in_dim3A_200 = vector.broadcast %reduce_sum3A_199 : f32 to vector<16xf32>
      %select_n3A_201 = arith.select %eq3A_194, %broadcast_in_dim3A_200, %select_n3A_167 : vector<16xi1>, vector<16xf32>
      %add3A_202 = arith.constant 5 : i32
      %add3A_203 = arith.addi %mul3A_34, %add3A_202 : i32
      %get3A_204 = arith.index_cast %add3A_203 : i32 to index
      %get3A_205 = arith.constant 0 : index
      %get3A_206 = tpu.vector_load %arg11[%get3A_204, %get3A_205] {strides = array<i32>} : memref<512x32xf32, #tpu.memory_space<vmem>>, vector<16xf32>,
      %get3A_207 = arith.index_cast %add3A_203 : i32 to index
      %get3A_208 = arith.constant 0 : index
      %get3A_209 = tpu.vector_load %arg12[%get3A_207, %get3A_208] {strides = array<i32>} : memref<512x32xf32, #tpu.memory_space<vmem>>, vector<16xf32>,
      %mul3A_210 = arith.mulf %get3A_206, %get3A_209 : vector<16xf32>
      %get3A_211 = arith.index_cast %add3A_203 : i32 to index
      %get3A_212 = arith.constant 0 : index
      %get3A_213 = tpu.vector_load %arg13[%get3A_211, %get3A_212] {strides = array<i32>} : memref<512x32xf32, #tpu.memory_space<vmem>>, vector<16xf32>,
      %mul3A_214 = arith.mulf %mul3A_210, %get3A_213 : vector<16xf32>
      %get3A_215 = arith.index_cast %add3A_203 : i32 to index
      %get3A_216 = arith.constant 16 : index
      %get3A_217 = tpu.vector_load %arg11[%get3A_215, %get3A_216] {strides = array<i32>} : memref<512x32xf32, #tpu.memory_space<vmem>>, vector<16xf32>,
      %get3A_218 = arith.index_cast %add3A_203 : i32 to index
      %get3A_219 = arith.constant 16 : index
      %get3A_220 = tpu.vector_load %arg12[%get3A_218, %get3A_219] {strides = array<i32>} : memref<512x32xf32, #tpu.memory_space<vmem>>, vector<16xf32>,
      %mul3A_221 = arith.mulf %get3A_217, %get3A_220 : vector<16xf32>
      %get3A_222 = arith.index_cast %add3A_203 : i32 to index
      %get3A_223 = arith.constant 16 : index
      %get3A_224 = tpu.vector_load %arg13[%get3A_222, %get3A_223] {strides = array<i32>} : memref<512x32xf32, #tpu.memory_space<vmem>>, vector<16xf32>,
      %mul3A_225 = arith.mulf %mul3A_221, %get3A_224 : vector<16xf32>
      %eq3A_226 = arith.constant 5 : i32
      %eq3A_227 = vector.broadcast %eq3A_226 : i32 to vector<16xi32>
      %eq3A_228 = arith.cmpi eq, %iota3A, %eq3A_227 : vector<16xi32>
      %add3A_229 = arith.addf %mul3A_214, %mul3A_225 : vector<16xf32>
      %reduce_sum3A_230 = arith.constant true
      %reduce_sum3A_231 = vector.broadcast %reduce_sum3A_230 : i1 to vector<16xi1>
      %reduce_sum3A_232 = tpu.scan <sum>, %add3A_229 masked %reduce_sum3A_231 : vector<16xf32>, vector<16xi1> -> vector<16xf32>
      %reduce_sum3A_233 = vector.extract %reduce_sum3A_232[15] : f32 from vector<16xf32>
      %broadcast_in_dim3A_234 = vector.broadcast %reduce_sum3A_233 : f32 to vector<16xf32>
      %select_n3A_235 = arith.select %eq3A_228, %broadcast_in_dim3A_234, %select_n3A_201 : vector<16xi1>, vector<16xf32>
      %add3A_236 = arith.constant 6 : i32
      %add3A_237 = arith.addi %mul3A_34, %add3A_236 : i32
      %get3A_238 = arith.index_cast %add3A_237 : i32 to index
      %get3A_239 = arith.constant 0 : index
      %get3A_240 = tpu.vector_load %arg11[%get3A_238, %get3A_239] {strides = array<i32>} : memref<512x32xf32, #tpu.memory_space<vmem>>, vector<16xf32>,
      %get3A_241 = arith.index_cast %add3A_237 : i32 to index
      %get3A_242 = arith.constant 0 : index
      %get3A_243 = tpu.vector_load %arg12[%get3A_241, %get3A_242] {strides = array<i32>} : memref<512x32xf32, #tpu.memory_space<vmem>>, vector<16xf32>,
      %mul3A_244 = arith.mulf %get3A_240, %get3A_243 : vector<16xf32>
      %get3A_245 = arith.index_cast %add3A_237 : i32 to index
      %get3A_246 = arith.constant 0 : index
      %get3A_247 = tpu.vector_load %arg13[%get3A_245, %get3A_246] {strides = array<i32>} : memref<512x32xf32, #tpu.memory_space<vmem>>, vector<16xf32>,
      %mul3A_248 = arith.mulf %mul3A_244, %get3A_247 : vector<16xf32>
      %get3A_249 = arith.index_cast %add3A_237 : i32 to index
      %get3A_250 = arith.constant 16 : index
      %get3A_251 = tpu.vector_load %arg11[%get3A_249, %get3A_250] {strides = array<i32>} : memref<512x32xf32, #tpu.memory_space<vmem>>, vector<16xf32>,
      %get3A_252 = arith.index_cast %add3A_237 : i32 to index
      %get3A_253 = arith.constant 16 : index
      %get3A_254 = tpu.vector_load %arg12[%get3A_252, %get3A_253] {strides = array<i32>} : memref<512x32xf32, #tpu.memory_space<vmem>>, vector<16xf32>,
      %mul3A_255 = arith.mulf %get3A_251, %get3A_254 : vector<16xf32>
      %get3A_256 = arith.index_cast %add3A_237 : i32 to index
      %get3A_257 = arith.constant 16 : index
      %get3A_258 = tpu.vector_load %arg13[%get3A_256, %get3A_257] {strides = array<i32>} : memref<512x32xf32, #tpu.memory_space<vmem>>, vector<16xf32>,
      %mul3A_259 = arith.mulf %mul3A_255, %get3A_258 : vector<16xf32>
      %eq3A_260 = arith.constant 6 : i32
      %eq3A_261 = vector.broadcast %eq3A_260 : i32 to vector<16xi32>
      %eq3A_262 = arith.cmpi eq, %iota3A, %eq3A_261 : vector<16xi32>
      %add3A_263 = arith.addf %mul3A_248, %mul3A_259 : vector<16xf32>
      %reduce_sum3A_264 = arith.constant true
      %reduce_sum3A_265 = vector.broadcast %reduce_sum3A_264 : i1 to vector<16xi1>
      %reduce_sum3A_266 = tpu.scan <sum>, %add3A_263 masked %reduce_sum3A_265 : vector<16xf32>, vector<16xi1> -> vector<16xf32>
      %reduce_sum3A_267 = vector.extract %reduce_sum3A_266[15] : f32 from vector<16xf32>
      %broadcast_in_dim3A_268 = vector.broadcast %reduce_sum3A_267 : f32 to vector<16xf32>
      %select_n3A_269 = arith.select %eq3A_262, %broadcast_in_dim3A_268, %select_n3A_235 : vector<16xi1>, vector<16xf32>
      %add3A_270 = arith.constant 7 : i32
      %add3A_271 = arith.addi %mul3A_34, %add3A_270 : i32
      %get3A_272 = arith.index_cast %add3A_271 : i32 to index
      %get3A_273 = arith.constant 0 : index
      %get3A_274 = tpu.vector_load %arg11[%get3A_272, %get3A_273] {strides = array<i32>} : memref<512x32xf32, #tpu.memory_space<vmem>>, vector<16xf32>,
      %get3A_275 = arith.index_cast %add3A_271 : i32 to index
      %get3A_276 = arith.constant 0 : index
      %get3A_277 = tpu.vector_load %arg12[%get3A_275, %get3A_276] {strides = array<i32>} : memref<512x32xf32, #tpu.memory_space<vmem>>, vector<16xf32>,
      %mul3A_278 = arith.mulf %get3A_274, %get3A_277 : vector<16xf32>
      %get3A_279 = arith.index_cast %add3A_271 : i32 to index
      %get3A_280 = arith.constant 0 : index
      %get3A_281 = tpu.vector_load %arg13[%get3A_279, %get3A_280] {strides = array<i32>} : memref<512x32xf32, #tpu.memory_space<vmem>>, vector<16xf32>,
      %mul3A_282 = arith.mulf %mul3A_278, %get3A_281 : vector<16xf32>
      %get3A_283 = arith.index_cast %add3A_271 : i32 to index
      %get3A_284 = arith.constant 16 : index
      %get3A_285 = tpu.vector_load %arg11[%get3A_283, %get3A_284] {strides = array<i32>} : memref<512x32xf32, #tpu.memory_space<vmem>>, vector<16xf32>,
      %get3A_286 = arith.index_cast %add3A_271 : i32 to index
      %get3A_287 = arith.constant 16 : index
      %get3A_288 = tpu.vector_load %arg12[%get3A_286, %get3A_287] {strides = array<i32>} : memref<512x32xf32, #tpu.memory_space<vmem>>, vector<16xf32>,
      %mul3A_289 = arith.mulf %get3A_285, %get3A_288 : vector<16xf32>
      %get3A_290 = arith.index_cast %add3A_271 : i32 to index
      %get3A_291 = arith.constant 16 : index
      %get3A_292 = tpu.vector_load %arg13[%get3A_290, %get3A_291] {strides = array<i32>} : memref<512x32xf32, #tpu.memory_space<vmem>>, vector<16xf32>,
      %mul3A_293 = arith.mulf %mul3A_289, %get3A_292 : vector<16xf32>
      %eq3A_294 = arith.constant 7 : i32
      %eq3A_295 = vector.broadcast %eq3A_294 : i32 to vector<16xi32>
      %eq3A_296 = arith.cmpi eq, %iota3A, %eq3A_295 : vector<16xi32>
      %add3A_297 = arith.addf %mul3A_282, %mul3A_293 : vector<16xf32>
      %reduce_sum3A_298 = arith.constant true
      %reduce_sum3A_299 = vector.broadcast %reduce_sum3A_298 : i1 to vector<16xi1>
      %reduce_sum3A_300 = tpu.scan <sum>, %add3A_297 masked %reduce_sum3A_299 : vector<16xf32>, vector<16xi1> -> vector<16xf32>
      %reduce_sum3A_301 = vector.extract %reduce_sum3A_300[15] : f32 from vector<16xf32>
      %broadcast_in_dim3A_302 = vector.broadcast %reduce_sum3A_301 : f32 to vector<16xf32>
      %select_n3A_303 = arith.select %eq3A_296, %broadcast_in_dim3A_302, %select_n3A_269 : vector<16xi1>, vector<16xf32>
      %add3A_304 = arith.constant 8 : i32
      %add3A_305 = arith.addi %mul3A_34, %add3A_304 : i32
      %get3A_306 = arith.index_cast %add3A_305 : i32 to index
      %get3A_307 = arith.constant 0 : index
      %get3A_308 = tpu.vector_load %arg11[%get3A_306, %get3A_307] {strides = array<i32>} : memref<512x32xf32, #tpu.memory_space<vmem>>, vector<16xf32>,
      %get3A_309 = arith.index_cast %add3A_305 : i32 to index
      %get3A_310 = arith.constant 0 : index
      %get3A_311 = tpu.vector_load %arg12[%get3A_309, %get3A_310] {strides = array<i32>} : memref<512x32xf32, #tpu.memory_space<vmem>>, vector<16xf32>,
      %mul3A_312 = arith.mulf %get3A_308, %get3A_311 : vector<16xf32>
      %get3A_313 = arith.index_cast %add3A_305 : i32 to index
      %get3A_314 = arith.constant 0 : index
      %get3A_315 = tpu.vector_load %arg13[%get3A_313, %get3A_314] {strides = array<i32>} : memref<512x32xf32, #tpu.memory_space<vmem>>, vector<16xf32>,
      %mul3A_316 = arith.mulf %mul3A_312, %get3A_315 : vector<16xf32>
      %get3A_317 = arith.index_cast %add3A_305 : i32 to index
      %get3A_318 = arith.constant 16 : index
      %get3A_319 = tpu.vector_load %arg11[%get3A_317, %get3A_318] {strides = array<i32>} : memref<512x32xf32, #tpu.memory_space<vmem>>, vector<16xf32>,
      %get3A_320 = arith.index_cast %add3A_305 : i32 to index
      %get3A_321 = arith.constant 16 : index
      %get3A_322 = tpu.vector_load %arg12[%get3A_320, %get3A_321] {strides = array<i32>} : memref<512x32xf32, #tpu.memory_space<vmem>>, vector<16xf32>,
      %mul3A_323 = arith.mulf %get3A_319, %get3A_322 : vector<16xf32>
      %get3A_324 = arith.index_cast %add3A_305 : i32 to index
      %get3A_325 = arith.constant 16 : index
      %get3A_326 = tpu.vector_load %arg13[%get3A_324, %get3A_325] {strides = array<i32>} : memref<512x32xf32, #tpu.memory_space<vmem>>, vector<16xf32>,
      %mul3A_327 = arith.mulf %mul3A_323, %get3A_326 : vector<16xf32>
      %eq3A_328 = arith.constant 8 : i32
      %eq3A_329 = vector.broadcast %eq3A_328 : i32 to vector<16xi32>
      %eq3A_330 = arith.cmpi eq, %iota3A, %eq3A_329 : vector<16xi32>
      %add3A_331 = arith.addf %mul3A_316, %mul3A_327 : vector<16xf32>
      %reduce_sum3A_332 = arith.constant true
      %reduce_sum3A_333 = vector.broadcast %reduce_sum3A_332 : i1 to vector<16xi1>
      %reduce_sum3A_334 = tpu.scan <sum>, %add3A_331 masked %reduce_sum3A_333 : vector<16xf32>, vector<16xi1> -> vector<16xf32>
      %reduce_sum3A_335 = vector.extract %reduce_sum3A_334[15] : f32 from vector<16xf32>
      %broadcast_in_dim3A_336 = vector.broadcast %reduce_sum3A_335 : f32 to vector<16xf32>
      %select_n3A_337 = arith.select %eq3A_330, %broadcast_in_dim3A_336, %select_n3A_303 : vector<16xi1>, vector<16xf32>
      %add3A_338 = arith.constant 9 : i32
      %add3A_339 = arith.addi %mul3A_34, %add3A_338 : i32
      %get3A_340 = arith.index_cast %add3A_339 : i32 to index
      %get3A_341 = arith.constant 0 : index
      %get3A_342 = tpu.vector_load %arg11[%get3A_340, %get3A_341] {strides = array<i32>} : memref<512x32xf32, #tpu.memory_space<vmem>>, vector<16xf32>,
      %get3A_343 = arith.index_cast %add3A_339 : i32 to index
      %get3A_344 = arith.constant 0 : index
      %get3A_345 = tpu.vector_load %arg12[%get3A_343, %get3A_344] {strides = array<i32>} : memref<512x32xf32, #tpu.memory_space<vmem>>, vector<16xf32>,
      %mul3A_346 = arith.mulf %get3A_342, %get3A_345 : vector<16xf32>
      %get3A_347 = arith.index_cast %add3A_339 : i32 to index
      %get3A_348 = arith.constant 0 : index
      %get3A_349 = tpu.vector_load %arg13[%get3A_347, %get3A_348] {strides = array<i32>} : memref<512x32xf32, #tpu.memory_space<vmem>>, vector<16xf32>,
      %mul3A_350 = arith.mulf %mul3A_346, %get3A_349 : vector<16xf32>
      %get3A_351 = arith.index_cast %add3A_339 : i32 to index
      %get3A_352 = arith.constant 16 : index
      %get3A_353 = tpu.vector_load %arg11[%get3A_351, %get3A_352] {strides = array<i32>} : memref<512x32xf32, #tpu.memory_space<vmem>>, vector<16xf32>,
      %get3A_354 = arith.index_cast %add3A_339 : i32 to index
      %get3A_355 = arith.constant 16 : index
      %get3A_356 = tpu.vector_load %arg12[%get3A_354, %get3A_355] {strides = array<i32>} : memref<512x32xf32, #tpu.memory_space<vmem>>, vector<16xf32>,
      %mul3A_357 = arith.mulf %get3A_353, %get3A_356 : vector<16xf32>
      %get3A_358 = arith.index_cast %add3A_339 : i32 to index
      %get3A_359 = arith.constant 16 : index
      %get3A_360 = tpu.vector_load %arg13[%get3A_358, %get3A_359] {strides = array<i32>} : memref<512x32xf32, #tpu.memory_space<vmem>>, vector<16xf32>,
      %mul3A_361 = arith.mulf %mul3A_357, %get3A_360 : vector<16xf32>
      %eq3A_362 = arith.constant 9 : i32
      %eq3A_363 = vector.broadcast %eq3A_362 : i32 to vector<16xi32>
      %eq3A_364 = arith.cmpi eq, %iota3A, %eq3A_363 : vector<16xi32>
      %add3A_365 = arith.addf %mul3A_350, %mul3A_361 : vector<16xf32>
      %reduce_sum3A_366 = arith.constant true
      %reduce_sum3A_367 = vector.broadcast %reduce_sum3A_366 : i1 to vector<16xi1>
      %reduce_sum3A_368 = tpu.scan <sum>, %add3A_365 masked %reduce_sum3A_367 : vector<16xf32>, vector<16xi1> -> vector<16xf32>
      %reduce_sum3A_369 = vector.extract %reduce_sum3A_368[15] : f32 from vector<16xf32>
      %broadcast_in_dim3A_370 = vector.broadcast %reduce_sum3A_369 : f32 to vector<16xf32>
      %select_n3A_371 = arith.select %eq3A_364, %broadcast_in_dim3A_370, %select_n3A_337 : vector<16xi1>, vector<16xf32>
      %add3A_372 = arith.constant 10 : i32
      %add3A_373 = arith.addi %mul3A_34, %add3A_372 : i32
      %get3A_374 = arith.index_cast %add3A_373 : i32 to index
      %get3A_375 = arith.constant 0 : index
      %get3A_376 = tpu.vector_load %arg11[%get3A_374, %get3A_375] {strides = array<i32>} : memref<512x32xf32, #tpu.memory_space<vmem>>, vector<16xf32>,
      %get3A_377 = arith.index_cast %add3A_373 : i32 to index
      %get3A_378 = arith.constant 0 : index
      %get3A_379 = tpu.vector_load %arg12[%get3A_377, %get3A_378] {strides = array<i32>} : memref<512x32xf32, #tpu.memory_space<vmem>>, vector<16xf32>,
      %mul3A_380 = arith.mulf %get3A_376, %get3A_379 : vector<16xf32>
      %get3A_381 = arith.index_cast %add3A_373 : i32 to index
      %get3A_382 = arith.constant 0 : index
      %get3A_383 = tpu.vector_load %arg13[%get3A_381, %get3A_382] {strides = array<i32>} : memref<512x32xf32, #tpu.memory_space<vmem>>, vector<16xf32>,
      %mul3A_384 = arith.mulf %mul3A_380, %get3A_383 : vector<16xf32>
      %get3A_385 = arith.index_cast %add3A_373 : i32 to index
      %get3A_386 = arith.constant 16 : index
      %get3A_387 = tpu.vector_load %arg11[%get3A_385, %get3A_386] {strides = array<i32>} : memref<512x32xf32, #tpu.memory_space<vmem>>, vector<16xf32>,
      %get3A_388 = arith.index_cast %add3A_373 : i32 to index
      %get3A_389 = arith.constant 16 : index
      %get3A_390 = tpu.vector_load %arg12[%get3A_388, %get3A_389] {strides = array<i32>} : memref<512x32xf32, #tpu.memory_space<vmem>>, vector<16xf32>,
      %mul3A_391 = arith.mulf %get3A_387, %get3A_390 : vector<16xf32>
      %get3A_392 = arith.index_cast %add3A_373 : i32 to index
      %get3A_393 = arith.constant 16 : index
      %get3A_394 = tpu.vector_load %arg13[%get3A_392, %get3A_393] {strides = array<i32>} : memref<512x32xf32, #tpu.memory_space<vmem>>, vector<16xf32>,
      %mul3A_395 = arith.mulf %mul3A_391, %get3A_394 : vector<16xf32>
      %eq3A_396 = arith.constant 10 : i32
      %eq3A_397 = vector.broadcast %eq3A_396 : i32 to vector<16xi32>
      %eq3A_398 = arith.cmpi eq, %iota3A, %eq3A_397 : vector<16xi32>
      %add3A_399 = arith.addf %mul3A_384, %mul3A_395 : vector<16xf32>
      %reduce_sum3A_400 = arith.constant true
      %reduce_sum3A_401 = vector.broadcast %reduce_sum3A_400 : i1 to vector<16xi1>
      %reduce_sum3A_402 = tpu.scan <sum>, %add3A_399 masked %reduce_sum3A_401 : vector<16xf32>, vector<16xi1> -> vector<16xf32>
      %reduce_sum3A_403 = vector.extract %reduce_sum3A_402[15] : f32 from vector<16xf32>
      %broadcast_in_dim3A_404 = vector.broadcast %reduce_sum3A_403 : f32 to vector<16xf32>
      %select_n3A_405 = arith.select %eq3A_398, %broadcast_in_dim3A_404, %select_n3A_371 : vector<16xi1>, vector<16xf32>
      %add3A_406 = arith.constant 11 : i32
      %add3A_407 = arith.addi %mul3A_34, %add3A_406 : i32
      %get3A_408 = arith.index_cast %add3A_407 : i32 to index
      %get3A_409 = arith.constant 0 : index
      %get3A_410 = tpu.vector_load %arg11[%get3A_408, %get3A_409] {strides = array<i32>} : memref<512x32xf32, #tpu.memory_space<vmem>>, vector<16xf32>,
      %get3A_411 = arith.index_cast %add3A_407 : i32 to index
      %get3A_412 = arith.constant 0 : index
      %get3A_413 = tpu.vector_load %arg12[%get3A_411, %get3A_412] {strides = array<i32>} : memref<512x32xf32, #tpu.memory_space<vmem>>, vector<16xf32>,
      %mul3A_414 = arith.mulf %get3A_410, %get3A_413 : vector<16xf32>
      %get3A_415 = arith.index_cast %add3A_407 : i32 to index
      %get3A_416 = arith.constant 0 : index
      %get3A_417 = tpu.vector_load %arg13[%get3A_415, %get3A_416] {strides = array<i32>} : memref<512x32xf32, #tpu.memory_space<vmem>>, vector<16xf32>,
      %mul3A_418 = arith.mulf %mul3A_414, %get3A_417 : vector<16xf32>
      %get3A_419 = arith.index_cast %add3A_407 : i32 to index
      %get3A_420 = arith.constant 16 : index
      %get3A_421 = tpu.vector_load %arg11[%get3A_419, %get3A_420] {strides = array<i32>} : memref<512x32xf32, #tpu.memory_space<vmem>>, vector<16xf32>,
      %get3A_422 = arith.index_cast %add3A_407 : i32 to index
      %get3A_423 = arith.constant 16 : index
      %get3A_424 = tpu.vector_load %arg12[%get3A_422, %get3A_423] {strides = array<i32>} : memref<512x32xf32, #tpu.memory_space<vmem>>, vector<16xf32>,
      %mul3A_425 = arith.mulf %get3A_421, %get3A_424 : vector<16xf32>
      %get3A_426 = arith.index_cast %add3A_407 : i32 to index
      %get3A_427 = arith.constant 16 : index
      %get3A_428 = tpu.vector_load %arg13[%get3A_426, %get3A_427] {strides = array<i32>} : memref<512x32xf32, #tpu.memory_space<vmem>>, vector<16xf32>,
      %mul3A_429 = arith.mulf %mul3A_425, %get3A_428 : vector<16xf32>
      %eq3A_430 = arith.constant 11 : i32
      %eq3A_431 = vector.broadcast %eq3A_430 : i32 to vector<16xi32>
      %eq3A_432 = arith.cmpi eq, %iota3A, %eq3A_431 : vector<16xi32>
      %add3A_433 = arith.addf %mul3A_418, %mul3A_429 : vector<16xf32>
      %reduce_sum3A_434 = arith.constant true
      %reduce_sum3A_435 = vector.broadcast %reduce_sum3A_434 : i1 to vector<16xi1>
      %reduce_sum3A_436 = tpu.scan <sum>, %add3A_433 masked %reduce_sum3A_435 : vector<16xf32>, vector<16xi1> -> vector<16xf32>
      %reduce_sum3A_437 = vector.extract %reduce_sum3A_436[15] : f32 from vector<16xf32>
      %broadcast_in_dim3A_438 = vector.broadcast %reduce_sum3A_437 : f32 to vector<16xf32>
      %select_n3A_439 = arith.select %eq3A_432, %broadcast_in_dim3A_438, %select_n3A_405 : vector<16xi1>, vector<16xf32>
      %add3A_440 = arith.constant 12 : i32
      %add3A_441 = arith.addi %mul3A_34, %add3A_440 : i32
      %get3A_442 = arith.index_cast %add3A_441 : i32 to index
      %get3A_443 = arith.constant 0 : index
      %get3A_444 = tpu.vector_load %arg11[%get3A_442, %get3A_443] {strides = array<i32>} : memref<512x32xf32, #tpu.memory_space<vmem>>, vector<16xf32>,
      %get3A_445 = arith.index_cast %add3A_441 : i32 to index
      %get3A_446 = arith.constant 0 : index
      %get3A_447 = tpu.vector_load %arg12[%get3A_445, %get3A_446] {strides = array<i32>} : memref<512x32xf32, #tpu.memory_space<vmem>>, vector<16xf32>,
      %mul3A_448 = arith.mulf %get3A_444, %get3A_447 : vector<16xf32>
      %get3A_449 = arith.index_cast %add3A_441 : i32 to index
      %get3A_450 = arith.constant 0 : index
      %get3A_451 = tpu.vector_load %arg13[%get3A_449, %get3A_450] {strides = array<i32>} : memref<512x32xf32, #tpu.memory_space<vmem>>, vector<16xf32>,
      %mul3A_452 = arith.mulf %mul3A_448, %get3A_451 : vector<16xf32>
      %get3A_453 = arith.index_cast %add3A_441 : i32 to index
      %get3A_454 = arith.constant 16 : index
      %get3A_455 = tpu.vector_load %arg11[%get3A_453, %get3A_454] {strides = array<i32>} : memref<512x32xf32, #tpu.memory_space<vmem>>, vector<16xf32>,
      %get3A_456 = arith.index_cast %add3A_441 : i32 to index
      %get3A_457 = arith.constant 16 : index
      %get3A_458 = tpu.vector_load %arg12[%get3A_456, %get3A_457] {strides = array<i32>} : memref<512x32xf32, #tpu.memory_space<vmem>>, vector<16xf32>,
      %mul3A_459 = arith.mulf %get3A_455, %get3A_458 : vector<16xf32>
      %get3A_460 = arith.index_cast %add3A_441 : i32 to index
      %get3A_461 = arith.constant 16 : index
      %get3A_462 = tpu.vector_load %arg13[%get3A_460, %get3A_461] {strides = array<i32>} : memref<512x32xf32, #tpu.memory_space<vmem>>, vector<16xf32>,
      %mul3A_463 = arith.mulf %mul3A_459, %get3A_462 : vector<16xf32>
      %eq3A_464 = arith.constant 12 : i32
      %eq3A_465 = vector.broadcast %eq3A_464 : i32 to vector<16xi32>
      %eq3A_466 = arith.cmpi eq, %iota3A, %eq3A_465 : vector<16xi32>
      %add3A_467 = arith.addf %mul3A_452, %mul3A_463 : vector<16xf32>
      %reduce_sum3A_468 = arith.constant true
      %reduce_sum3A_469 = vector.broadcast %reduce_sum3A_468 : i1 to vector<16xi1>
      %reduce_sum3A_470 = tpu.scan <sum>, %add3A_467 masked %reduce_sum3A_469 : vector<16xf32>, vector<16xi1> -> vector<16xf32>
      %reduce_sum3A_471 = vector.extract %reduce_sum3A_470[15] : f32 from vector<16xf32>
      %broadcast_in_dim3A_472 = vector.broadcast %reduce_sum3A_471 : f32 to vector<16xf32>
      %select_n3A_473 = arith.select %eq3A_466, %broadcast_in_dim3A_472, %select_n3A_439 : vector<16xi1>, vector<16xf32>
      %add3A_474 = arith.constant 13 : i32
      %add3A_475 = arith.addi %mul3A_34, %add3A_474 : i32
      %get3A_476 = arith.index_cast %add3A_475 : i32 to index
      %get3A_477 = arith.constant 0 : index
      %get3A_478 = tpu.vector_load %arg11[%get3A_476, %get3A_477] {strides = array<i32>} : memref<512x32xf32, #tpu.memory_space<vmem>>, vector<16xf32>,
      %get3A_479 = arith.index_cast %add3A_475 : i32 to index
      %get3A_480 = arith.constant 0 : index
      %get3A_481 = tpu.vector_load %arg12[%get3A_479, %get3A_480] {strides = array<i32>} : memref<512x32xf32, #tpu.memory_space<vmem>>, vector<16xf32>,
      %mul3A_482 = arith.mulf %get3A_478, %get3A_481 : vector<16xf32>
      %get3A_483 = arith.index_cast %add3A_475 : i32 to index
      %get3A_484 = arith.constant 0 : index
      %get3A_485 = tpu.vector_load %arg13[%get3A_483, %get3A_484] {strides = array<i32>} : memref<512x32xf32, #tpu.memory_space<vmem>>, vector<16xf32>,
      %mul3A_486 = arith.mulf %mul3A_482, %get3A_485 : vector<16xf32>
      %get3A_487 = arith.index_cast %add3A_475 : i32 to index
      %get3A_488 = arith.constant 16 : index
      %get3A_489 = tpu.vector_load %arg11[%get3A_487, %get3A_488] {strides = array<i32>} : memref<512x32xf32, #tpu.memory_space<vmem>>, vector<16xf32>,
      %get3A_490 = arith.index_cast %add3A_475 : i32 to index
      %get3A_491 = arith.constant 16 : index
      %get3A_492 = tpu.vector_load %arg12[%get3A_490, %get3A_491] {strides = array<i32>} : memref<512x32xf32, #tpu.memory_space<vmem>>, vector<16xf32>,
      %mul3A_493 = arith.mulf %get3A_489, %get3A_492 : vector<16xf32>
      %get3A_494 = arith.index_cast %add3A_475 : i32 to index
      %get3A_495 = arith.constant 16 : index
      %get3A_496 = tpu.vector_load %arg13[%get3A_494, %get3A_495] {strides = array<i32>} : memref<512x32xf32, #tpu.memory_space<vmem>>, vector<16xf32>,
      %mul3A_497 = arith.mulf %mul3A_493, %get3A_496 : vector<16xf32>
      %eq3A_498 = arith.constant 13 : i32
      %eq3A_499 = vector.broadcast %eq3A_498 : i32 to vector<16xi32>
      %eq3A_500 = arith.cmpi eq, %iota3A, %eq3A_499 : vector<16xi32>
      %add3A_501 = arith.addf %mul3A_486, %mul3A_497 : vector<16xf32>
      %reduce_sum3A_502 = arith.constant true
      %reduce_sum3A_503 = vector.broadcast %reduce_sum3A_502 : i1 to vector<16xi1>
      %reduce_sum3A_504 = tpu.scan <sum>, %add3A_501 masked %reduce_sum3A_503 : vector<16xf32>, vector<16xi1> -> vector<16xf32>
      %reduce_sum3A_505 = vector.extract %reduce_sum3A_504[15] : f32 from vector<16xf32>
      %broadcast_in_dim3A_506 = vector.broadcast %reduce_sum3A_505 : f32 to vector<16xf32>
      %select_n3A_507 = arith.select %eq3A_500, %broadcast_in_dim3A_506, %select_n3A_473 : vector<16xi1>, vector<16xf32>
      %add3A_508 = arith.constant 14 : i32
      %add3A_509 = arith.addi %mul3A_34, %add3A_508 : i32
      %get3A_510 = arith.index_cast %add3A_509 : i32 to index
      %get3A_511 = arith.constant 0 : index
      %get3A_512 = tpu.vector_load %arg11[%get3A_510, %get3A_511] {strides = array<i32>} : memref<512x32xf32, #tpu.memory_space<vmem>>, vector<16xf32>,
      %get3A_513 = arith.index_cast %add3A_509 : i32 to index
      %get3A_514 = arith.constant 0 : index
      %get3A_515 = tpu.vector_load %arg12[%get3A_513, %get3A_514] {strides = array<i32>} : memref<512x32xf32, #tpu.memory_space<vmem>>, vector<16xf32>,
      %mul3A_516 = arith.mulf %get3A_512, %get3A_515 : vector<16xf32>
      %get3A_517 = arith.index_cast %add3A_509 : i32 to index
      %get3A_518 = arith.constant 0 : index
      %get3A_519 = tpu.vector_load %arg13[%get3A_517, %get3A_518] {strides = array<i32>} : memref<512x32xf32, #tpu.memory_space<vmem>>, vector<16xf32>,
      %mul3A_520 = arith.mulf %mul3A_516, %get3A_519 : vector<16xf32>
      %get3A_521 = arith.index_cast %add3A_509 : i32 to index
      %get3A_522 = arith.constant 16 : index
      %get3A_523 = tpu.vector_load %arg11[%get3A_521, %get3A_522] {strides = array<i32>} : memref<512x32xf32, #tpu.memory_space<vmem>>, vector<16xf32>,
      %get3A_524 = arith.index_cast %add3A_509 : i32 to index
      %get3A_525 = arith.constant 16 : index
      %get3A_526 = tpu.vector_load %arg12[%get3A_524, %get3A_525] {strides = array<i32>} : memref<512x32xf32, #tpu.memory_space<vmem>>, vector<16xf32>,
      %mul3A_527 = arith.mulf %get3A_523, %get3A_526 : vector<16xf32>
      %get3A_528 = arith.index_cast %add3A_509 : i32 to index
      %get3A_529 = arith.constant 16 : index
      %get3A_530 = tpu.vector_load %arg13[%get3A_528, %get3A_529] {strides = array<i32>} : memref<512x32xf32, #tpu.memory_space<vmem>>, vector<16xf32>,
      %mul3A_531 = arith.mulf %mul3A_527, %get3A_530 : vector<16xf32>
      %eq3A_532 = arith.constant 14 : i32
      %eq3A_533 = vector.broadcast %eq3A_532 : i32 to vector<16xi32>
      %eq3A_534 = arith.cmpi eq, %iota3A, %eq3A_533 : vector<16xi32>
      %add3A_535 = arith.addf %mul3A_520, %mul3A_531 : vector<16xf32>
      %reduce_sum3A_536 = arith.constant true
      %reduce_sum3A_537 = vector.broadcast %reduce_sum3A_536 : i1 to vector<16xi1>
      %reduce_sum3A_538 = tpu.scan <sum>, %add3A_535 masked %reduce_sum3A_537 : vector<16xf32>, vector<16xi1> -> vector<16xf32>
      %reduce_sum3A_539 = vector.extract %reduce_sum3A_538[15] : f32 from vector<16xf32>
      %broadcast_in_dim3A_540 = vector.broadcast %reduce_sum3A_539 : f32 to vector<16xf32>
      %select_n3A_541 = arith.select %eq3A_534, %broadcast_in_dim3A_540, %select_n3A_507 : vector<16xi1>, vector<16xf32>
      %add3A_542 = arith.constant 15 : i32
      %add3A_543 = arith.addi %mul3A_34, %add3A_542 : i32
      %get3A_544 = arith.index_cast %add3A_543 : i32 to index
      %get3A_545 = arith.constant 0 : index
      %get3A_546 = tpu.vector_load %arg11[%get3A_544, %get3A_545] {strides = array<i32>} : memref<512x32xf32, #tpu.memory_space<vmem>>, vector<16xf32>,
      %get3A_547 = arith.index_cast %add3A_543 : i32 to index
      %get3A_548 = arith.constant 0 : index
      %get3A_549 = tpu.vector_load %arg12[%get3A_547, %get3A_548] {strides = array<i32>} : memref<512x32xf32, #tpu.memory_space<vmem>>, vector<16xf32>,
      %mul3A_550 = arith.mulf %get3A_546, %get3A_549 : vector<16xf32>
      %get3A_551 = arith.index_cast %add3A_543 : i32 to index
      %get3A_552 = arith.constant 0 : index
      %get3A_553 = tpu.vector_load %arg13[%get3A_551, %get3A_552] {strides = array<i32>} : memref<512x32xf32, #tpu.memory_space<vmem>>, vector<16xf32>,
      %mul3A_554 = arith.mulf %mul3A_550, %get3A_553 : vector<16xf32>
      %get3A_555 = arith.index_cast %add3A_543 : i32 to index
      %get3A_556 = arith.constant 16 : index
      %get3A_557 = tpu.vector_load %arg11[%get3A_555, %get3A_556] {strides = array<i32>} : memref<512x32xf32, #tpu.memory_space<vmem>>, vector<16xf32>,
      %get3A_558 = arith.index_cast %add3A_543 : i32 to index
      %get3A_559 = arith.constant 16 : index
      %get3A_560 = tpu.vector_load %arg12[%get3A_558, %get3A_559] {strides = array<i32>} : memref<512x32xf32, #tpu.memory_space<vmem>>, vector<16xf32>,
      %mul3A_561 = arith.mulf %get3A_557, %get3A_560 : vector<16xf32>
      %get3A_562 = arith.index_cast %add3A_543 : i32 to index
      %get3A_563 = arith.constant 16 : index
      %get3A_564 = tpu.vector_load %arg13[%get3A_562, %get3A_563] {strides = array<i32>} : memref<512x32xf32, #tpu.memory_space<vmem>>, vector<16xf32>,
      %mul3A_565 = arith.mulf %mul3A_561, %get3A_564 : vector<16xf32>
      %eq3A_566 = arith.constant 15 : i32
      %eq3A_567 = vector.broadcast %eq3A_566 : i32 to vector<16xi32>
      %eq3A_568 = arith.cmpi eq, %iota3A, %eq3A_567 : vector<16xi32>
      %add3A_569 = arith.addf %mul3A_554, %mul3A_565 : vector<16xf32>
      %reduce_sum3A_570 = arith.constant true
      %reduce_sum3A_571 = vector.broadcast %reduce_sum3A_570 : i1 to vector<16xi1>
      %reduce_sum3A_572 = tpu.scan <sum>, %add3A_569 masked %reduce_sum3A_571 : vector<16xf32>, vector<16xi1> -> vector<16xf32>
      %reduce_sum3A_573 = vector.extract %reduce_sum3A_572[15] : f32 from vector<16xf32>
      %broadcast_in_dim3A_574 = vector.broadcast %reduce_sum3A_573 : f32 to vector<16xf32>
      %select_n3A_575 = arith.select %eq3A_568, %broadcast_in_dim3A_574, %select_n3A_541 : vector<16xi1>, vector<16xf32>
      %swap3A = arith.index_cast %mul3A_34 : i32 to index
      %swap3A_576 = tpu.vector_load %arg14[%swap3A] {strides = array<i32>} : memref<512xf32, #tpu.memory_space<vmem>>, vector<16xf32>,
      tpu.vector_store %arg14[%swap3A], %select_n3A_575 {strides = array<i32>} : memref<512xf32, #tpu.memory_space<vmem>>, vector<16xf32>,
    }
    %scan3A_31 = arith.constant 32 : i32
    "tpu.region"() ({
      %run_scoped3A = tpu.sem_alloc : memref<!tpu.dma_semaphore, #tpu.memory_space<semaphore_mem>>
      %dma_start3A_32 = tpu.memref_slice %arg6[%mul3A_2] : memref<16384xf32, #tpu.memory_space<hbm>> -> memref<512xf32, #tpu.memory_space<hbm>>
      %dma_start3A_33 = tpu.memref_slice %arg6[%mul3A_2] : memref<16384xf32, #tpu.memory_space<hbm>> -> memref<512xf32, #tpu.memory_space<hbm>>
      tpu.enqueue_dma source(%arg14 : memref<512xf32, #tpu.memory_space<vmem>>) target(%dma_start3A_33 : memref<512xf32, #tpu.memory_space<hbm>>) target_semaphore(%run_scoped3A : memref<!tpu.dma_semaphore, #tpu.memory_space<semaphore_mem>>)
      %dma_wait3A_34 = tpu.memref_slice %arg6[%mul3A_2] : memref<16384xf32, #tpu.memory_space<hbm>> -> memref<512xf32, #tpu.memory_space<hbm>>
      %dma_wait3A_35 = tpu.memref_slice %arg6[%mul3A_2] : memref<16384xf32, #tpu.memory_space<hbm>> -> memref<512xf32, #tpu.memory_space<hbm>>
      tpu.wait_dma2 semaphore(%run_scoped3A : memref<!tpu.dma_semaphore, #tpu.memory_space<semaphore_mem>>) src(%arg14 : memref<512xf32, #tpu.memory_space<vmem>>) dst(%dma_wait3A_35 : memref<512xf32, #tpu.memory_space<hbm>>)
      tpu.yield
    }) : () -> ()
    return
  }
}

</mosaic_0001>

<sc_bundles>
// kernel: kernel.3.cloned.1.call-start
scs
__scs_entry_jumppad:
0x0: {  	(pc) =	sbr.rel $0x88, $3  }
0x1: {  	(tag) =	ssettag $0x0;
	lr =	simm.s32 $0x1  }
0x2: {  	[smem:$0x3F9D] =	sst lr;
	_ =	strace $0xD0000000  }
0x3: {  	_ = 	snop  }
0x4: {  	_ = 	snop  }
0x5: {  	_ = 	snop  }
0x6: {  	_ = 	snop  }
0x7: {  	_ = 	snop  }
__scs_overlays_trampoline_lowered:
0x8: {  	[smem:$0x3FAC] =	sst s0  }
0x9: {  	[smem:$0x3FAD] =	sst s1  }
0xa: {  	[smem:$0x3FAE] =	sst s2  }
0xb: {  	[smem:$0x3FAF] =	sst s3  }
0xc: {  	[smem:$0x3FB0] =	sst s4  }
0xd: {  	[smem:$0x3FB1] =	sst s5  }
0xe: {  	[smem:$0x3FB2] =	sst s6  }
0xf: {  	[smem:$0x3FB3] =	sst s7  }
0x10: {  	[smem:$0x3FB4] =	sst s8  }
0x11: {  	[smem:$0x3FB5] =	sst s9;
	s0 =	simm.s32 @!p0 $0x0  }
0x12: {  	s1 =	sld [smem:$0x3F9B];
	s0 =	simm.s32 @p0 $0x1  }
0x13: {  	[smem:$0x3FB6] =	sst s0;
	s0 =	simm.s32 @!p1 $0x0  }
0x14: {  	s2 =	sld [smem:$0x3F9A];
	s0 =	simm.s32 @p1 $0x1  }
0x15: {  	[smem:$0x3FB7] =	sst s0;
	s0 =	simm.s32 @!p2 $0x0  }
0x16: {  	s3 =	sld [smem:$0x3FDB];
	s0 =	simm.s32 @p2 $0x1  }
0x17: {  	s4 =	simm.s32 $0x1BF5;
	[smem:$0x3FB9] =	sst s0  }
0x18: {  	s0 =	sld [smem:$0x3F9C];
	_ =	swait.ge [sflag:s4], $0x0  }
0x19: {  	s7 =	sld [smem:$0x3F9D]  }
0x1a: {  	s8 =	sadd.s32 $0xFFFFE003, lr  }
0x1b: {  	s9 =	sadd.s32 $0xFFFFFEF7, lr;
	s5 =	simm.s32 $0xFFFFFFFF;
	p2 =	slt.u32 s8, $0xFFFFF086  }
0x1c: {  	p1 =	slt.u32 s9, $0xF7A;
	s5 =	simm.s32 @!p2 $0x0  }
0x1d: {  	s5 =	simm.s32 @p1 $0x1;
	p0 =	seq.s32 s7, s2  }
0x1e: {  	s7 =	smul.u32 @!p0 $0xF7A, s2;
	p2 =	seq.s32 @!p0 s5, $0x0  }
0x1f: {  	s9 =	smul.u32 $0xF7A, s1;
	s8 =	simm.s32 @!p0 $0x1BF5;
	p2 =	por !p2, p0  }
0x20: {  	[sflag:s8] =	ssyncset.s32 @!p0 $0xFFFFF086;
	s6 =	sadd.s32 @!p0 s3, s7;
	s7 =	simm.s32 @!p0 $0x108  }
0x21: {  	s3 =	sadd.s32 s3, s9;
	s6 =	sadd.s32 @!p0 $0x88, s6;
	s7 =	simm.s32 @p2 $0x1082  }
0x22: {  	[simem:s7], [sflag:s8] =	dma.local @!p0 [hbm:s6], $0xF7A  }
0x23: {  	s9 =	sor.u32 $0xD0000000, s2;
	s6 =	simm.s32 $0x108;
	_ =	swait.ge @!p0 [sflag:s8], $0x0  }
0x24: {  	s3 =	sadd.s32 $0x88, s3;
	s6 =	simm.s32 @!p1 $0x1082;
	[sflag:s4] =	ssyncset.s32 $0xFFFFF086  }
0x25: {  	[simem:s6], [sflag:s4] =	dma.local [hbm:s3], $0xF7A  }
0x26: {  	[smem:$0x3F9D] =	sst s1;
	(tag) =	ssettag s2;
	_ =	strace s9  }
0x27: {  	s1 =	sld [smem:$0x3FAD]  }
0x28: {  	s2 =	sld [smem:$0x3FAE]  }
0x29: {  	s4 =	sld [smem:$0x3FB0]  }
0x2a: {  	p0 =	seq.s32 s5, $0x0;
	s5 =	sld [smem:$0x3FB1]  }
0x2b: {  	s6 =	sld [smem:$0x3FB2]  }
0x2c: {  	s7 =	sld [smem:$0x3FB3]  }
0x2d: {  	s3 =	simm.s32 $0x108;
	s8 =	sld [smem:$0x3FB4]  }
0x2e: {  	s3 =	simm.s32 @!p0 $0x1082;
	s9 =	sld [smem:$0x3FB5]  }
0x2f: {  	lr =	sadd.s32 s0, s3;
	s0 =	sld [smem:$0x3FAC]  }
0x30: {  	s3 =	sld [smem:$0x3FAF]  }
0x31: {  	[smem:$0x3FB8] =	sst s10  }
0x32: {  	s10 =	sld [smem:$0x3FB6];
	_ =	sdelay $0x3  }
0x33: {  	p0 =	seq.s32 s10, $0x1;
	s10 =	sld [smem:$0x3FB8];
	_ =	sdelay $0x3  }
0x34: {  	[smem:$0x3FB8] =	sst s10  }
0x35: {  	s10 =	sld [smem:$0x3FB7];
	_ =	sdelay $0x3  }
0x36: {  	p1 =	seq.s32 s10, $0x1;
	s10 =	sld [smem:$0x3FB8];
	_ =	sdelay $0x3  }
0x37: {  	[smem:$0x3FB8] =	sst s10  }
0x38: {  	s10 =	sld [smem:$0x3FB9]  }
0x39: {  	_ = 	snop;
	(pc) =	sbr.ind lr, $3  }
0x3a: {  	_ = 	snop  }
0x3b: {  	_ = 	snop  }
0x3c: {  	p2 =	seq.s32 s10, $0x1;
	s10 =	sld [smem:$0x3FB8]  }
0x3d: {  	_ =	shalt  }
0x3e: {  	_ =	shalt  }
0x3f: {  	_ =	shalt  }
0x40: {  	_ =	shalt  }
0x41: {  	_ =	shalt  }
0x42: {  	_ =	shalt  }
0x43: {  	_ =	shalt  }
0x44: {  	_ =	shalt  }
0x45: {  	_ =	shalt  }
0x46: {  	_ =	shalt  }
0x47: {  	_ =	shalt  }
0x48: {  	_ =	shalt  }
0x49: {  	_ =	shalt  }
0x4a: {  	_ =	shalt  }
0x4b: {  	_ =	shalt  }
0x4c: {  	_ =	shalt  }
0x4d: {  	_ =	shalt  }
0x4e: {  	_ =	shalt  }
0x4f: {  	_ =	shalt  }
0x50: {  	_ =	shalt  }
0x51: {  	_ =	shalt  }
0x52: {  	_ =	shalt  }
0x53: {  	_ =	shalt  }
0x54: {  	_ =	shalt  }
0x55: {  	_ =	shalt  }
0x56: {  	_ =	shalt  }
0x57: {  	_ =	shalt  }
0x58: {  	_ =	shalt  }
0x59: {  	_ =	shalt  }
0x5a: {  	_ =	shalt  }
0x5b: {  	_ =	shalt  }
0x5c: {  	_ =	shalt  }
0x5d: {  	_ =	shalt  }
0x5e: {  	_ =	shalt  }
0x5f: {  	_ =	shalt  }
0x60: {  	_ =	shalt  }
0x61: {  	_ =	shalt  }
0x62: {  	_ =	shalt  }
0x63: {  	_ =	shalt  }
0x64: {  	_ =	shalt  }
0x65: {  	_ =	shalt  }
0x66: {  	_ =	shalt  }
0x67: {  	_ =	shalt  }
0x68: {  	_ =	shalt  }
0x69: {  	_ =	shalt  }
0x6a: {  	_ =	shalt  }
0x6b: {  	_ =	shalt  }
0x6c: {  	_ =	shalt  }
0x6d: {  	_ =	shalt  }
0x6e: {  	_ =	shalt  }
0x6f: {  	_ =	shalt  }
0x70: {  	_ =	shalt  }
0x71: {  	_ =	shalt  }
0x72: {  	_ =	shalt  }
0x73: {  	_ =	shalt  }
0x74: {  	_ =	shalt  }
0x75: {  	_ =	shalt  }
0x76: {  	_ =	shalt  }
0x77: {  	_ =	shalt  }
0x78: {  	_ =	shalt  }
0x79: {  	_ =	shalt  }
0x7a: {  	_ =	shalt  }
0x7b: {  	_ =	shalt  }
0x7c: {  	_ =	shalt  }
0x7d: {  	_ =	shalt  }
0x7e: {  	_ =	shalt  }
0x7f: {  	_ =	shalt  }
0x80: {  	_ =	shalt  }
0x81: {  	_ =	shalt  }
0x82: {  	_ =	shalt  }
0x83: {  	_ =	shalt  }
0x84: {  	_ =	shalt  }
0x85: {  	_ =	shalt  }
0x86: {  	_ =	shalt  }
0x87: {  	_ =	shalt  }
.Lfunc_end0:
.L_simem_size_0:
called_computation_lowered:
.L_overlay_start_0:
0x88: {  	s2 =	sld [smem:$0x3FD9]  }
0x89: {  	s3 =	sld [smem:$0x3FFE];
	_ =	sdelay $0x1  }
0x8a: {  	s1 =	srdreg.scid  }
0x8b: {  	s0 =	sand.u32 $0x1, s1  }
0x8c: {  	s17 =	sshll.u32 s0, $0xA;
	s2 =	sadd.s32 s3, s2  }
0x8d: {  	s2 =	sadd.s32 s2, s17  }
0x8e: {  	[smem:$0x3FC4] =	sst s2  }
0x8f: {  	_ = 	snop  }
0x90: {  	s2 =	sld [smem:$0x3FD0];
	(tm) =	ssettm $0x1  }
0x91: {  	s18 =	sld [smem:$0x3FFB];
	_ =	sdelay $0x3  }
0x92: {  	_ =	strace s18  }
0x93: {  	s3 =	sld [smem:$0x3FFC];
	_ =	sdelay $0x3  }
0x94: {  	_ =	strace s3  }
0x95: {  	s3 =	sld [smem:$0x3FFD];
	_ =	sdelay $0x3  }
0x96: {  	_ =	strace s3  }
0x97: {  	_ =	strace $0x8FFFFFFF  }
0x98: {  	s19 =	sld [smem:$0x3FDB];
	_ =	sdelay $0x1  }
0x99: {  	s4 =	simm.s32 $_scs_section_size  }
0x9a: {  	s5 =	simm.s32 $_size__tile_overlayer_lowered;
	s6 =	simm.s32 $_tile_overlayer_lowered  }
0x9b: {  	s22 =	simm.s32 $0x1BFF;
	s21 =	sshll.u32 s6, $0x1;
	s3 =	sadd.s32 s4, s19  }
0x9c: {  	s7 =	simm.s32 $0x0;
	s20 =	sshll.u32 s5, $0x1;
	s5 =	sadd.s32 s21, s3  }
0x9d: {  	[timem:s7], [sflag:s22] =	dma.local [hbm:s5], s20  }
0x9e: {  	_ =	swait.ge [sflag:s22], s20  }
0x9f: {  	s4 =	ssub.s32 $0x0, s20;
	[sflag:s22] =	ssyncset.done $0x0  }
0xa0: {  	[sflag:s22] =	ssyncadd.s32 s4;
	_ =	sdelay $0x1  }
0xa1: {  	s23 =	simm.s32 $0x1B8B  }
0xa2: {  	_ =	swait.ge [sflag:s23], $0x1  }
0xa3: {  	[sflag:s23] =	ssyncset.done $0x0  }
0xa4: {  	s25 =	simm.s32 $0x1B8E;
	s24 =	sld [smem:$0x3FFE];
	[sflag:s23] =	ssyncadd.s32 $0xFFFFFFFF  }
0xa5: {  	s26 =	simm.s32 $execute0_lowered;
	[smem:$0x3FD2] =	sst s25  }
0xa6: {  	s5 =	sshll.u32 s26, $0x1;
	_ =	strace $0x80000046;
	[dreg:$0x1] =	wrdreg $0xFFFFFFFF  }
0xa7: {  	s28 =	simm.s32 $_size_execute0_lowered;
	s3 =	sadd.s32 s3, s5;
	[dreg:$0x0] =	wrdreg $0x0  }
0xa8: {  	s5 =	sshll.u32 s28, $0x1;
	[dreg:$0x2] =	wrdreg s3  }
0xa9: {  	[dreg:$0x3] =	wrdreg s5  }
0xaa: {  	[dreg:$0x4] =	wrdreg $0xC0  }
0xab: {  	_ =	task [dreg:s7], $0x5FFFF  }
0xac: {  	[dreg:$0x1] =	wrdreg $0xFFFFFFFF  }
0xad: {  	[dreg:$0x0] =	wrdreg $0x60  }
0xae: {  	[dreg:$0x2] =	wrdreg s24  }
0xaf: {  	[dreg:$0x3] =	wrdreg s2  }
0xb0: {  	[dreg:$0x4] =	wrdreg $0x9  }
0xb1: {  	_ =	task.clear_ibuf [dreg:s7], $0x5FFFF;
	_ =	strace $0x90000046  }
0xb2: {  	s29 =	simm.s32 $0x9;
	_ =	strace $0x80000048  }
0xb3: {  	_ =	swait.ge [sflag:s29], $0x1  }
0xb4: {  	[sflag:s29] =	ssyncadd.s32 $0xFFFFFFFF  }
0xb5: {  	_ =	strace $0x90000048  }
0xb6: {  	_ =	sfence  }
0xb7: {  	s30 =	sld [smem:$0x0];
	_ =	sdelay $0x2  }
0xb8: {  	s31 =	sshll.u32 s1, $0xD;
	s1 =	sshrl.u32 s1, $0x2  }
0xb9: {  	s3 =	sand.u32 $0x4000, s31;
	s1 =	sadd.s32 s1, s30  }
0xba: {  	s0 =	sor.u32 s3, s0;
	s1 =	sshll.u32 s1, $0x11  }
0xbb: {  	s0 =	sor.u32 s1, s0  }
0xbc: {  	s0 =	sadd.s32 $0x8F2B, s0  }
0xbd: {  	[sflag:s0] =	ssyncadd.remote.s32 $0x1  }
0xbe: {  	_ =	sfence.sel $0xFFFF  }
0xbf: {  	[dreg:$0x0] =	wrdreg $0xFFFFFFFF;
	(pc) =	sbr.abs _section_cstart, $3  }
0xc0: {  	[dreg:$0x1] =	wrdreg $0xFFFFFFFF  }
0xc1: {  	_ =	task.clear_ibuf [dreg:s7], $0x2FFFF;
	_ =	strace $0x9FFFFFFF  }
0xc2: {  	(tm) =	ssettm $0x7FFFFFFF  }
0xc3: {  	_ =	shalt  }
tec
execute0_lowered:
.L_overlay_start_1:
0x0: {  	(tag) =	ssettag $0x1  }
0x1: {  	s5 =	rddreg [dreg:$0x0]  }
0x2: {  	s1 =	srdreg.scid;
	s0 =	stileid.u32  }
0x3: {  	s7 =	rddreg [dreg:$0x1];
	s2 =	simm.s32 $0x0;
	s11 =	simm.s32 $0x600  }
0x4: {  	v1 =	vimm.s32 $0x52741630;
	s12 =	simm.s32 $0xC00;
	s13 =	simm.s32 $0x800;
	s14 =	simm.s32 $0x4C00  }
0x5: {  	v0 =	vlaneseq.u32;
	v2 =	vimm.s32 $0x63052741;
	v3 =	vimm.s32 $0x74163052;
	s15 =	simm.s32 $0xA00;
	s16 =	simm.s32 $0x8C00;
	s17 =	simm.s32 $0x1  }
0x6: {  	vm0 =	vmmov $0x1;
	vm1 =	vmmov $0x3;
	vm2 =	vmmov $0x7;
	s18 =	simm.s32 $0x2;
	s19 =	simm.s32 $0x3;
	s20 =	simm.s32 $0xCC00  }
0x7: {  	vm3 =	vmmov $0xf;
	vm4 =	vmmov $0x1f;
	vm5 =	vmmov $0x3f;
	s4 =	sand.u32 $0x1, s1;
	s3 =	sshll.u32 s0, $0x1;
	s1 =	rddreg [dreg:$0x2]  }
0x8: {  	vm6 =	vmmov $0x7f;
	vm7 =	vmmov $0xff;
	vm8 =	vmmov $0x1ff;
	s21 =	simm.s32 $0x0;
	[smem:$0x7FF] =	sst s2;
	s8 =	sor.u32 s4, s3  }
0x9: {  	vm9 =	vmmov $0x3ff;
	vm10 =	vmmov $0x7ff;
	vm11 =	vmmov $0xfff;
	_ =	strace $0x80000047;
	s9 =	ssub.s32 $0x2, s4;
	s4 =	sadd.s32 $0x1313400, s5  }
0xa: {  	vm12 =	vmmov $0x1fff;
	v0 =	vmul.u32 $0x3, v0;
	v1 =	vunpack.c.l.s4.s8 v1;
	s3 =	smul.u32 $0xC0, s8;
	s10 =	sshrl.u32 s9, $0x1;
	s8 =	sshll.u32 s8, $0x6  }
0xb: {  	vm13 =	vmmov $0x3fff;
	v4 =	vunpack.c.l.s4.s8 v2;
	v5 =	vunpack.c.l.s4.s8 v3;
	s9 =	ssub.s32 s9, s10;
	s7 =	sadd.s32 s7, s8;
	s10 =	simm.s32 $0x200  }
0xc: {  	vm14 =	vmmov $0x7fff;
	v1 =	vunpack.c.0.s8.s32 v1;
	v2 =	vadd.s32 $0x1, v0;
	s6 =	sadd.s32 s3, s5;
	s3 =	sadd.s32 $0x16E3E00, s5;
	s5 =	sadd.s32 $0xF42A00, s5  }
0xd: {  	v3 =	vunpack.c.0.s8.s32 v4;
	v4 =	vadd.s32 $0x2, v0;
	v5 =	vunpack.c.0.s8.s32 v5;
	s8 =	smax.u32 s9, $0x1;
	s9 =	simm.s32 $0x4;
	s6 =	sadd.s32 $0x600, s6  }
.LBB2_1:
0xe: {  	v6 =	vmov s2  }
0xf: {  	v6 =	vmul.u32 $0x3, v6;
	_ =	sdelay $0x1  }
0x10: {  	v6 =	vbroadcast v6, $0x0;
	_ =	sdelay $0x1  }
0x11: {  	v7 =	vadd.s32 v0, v6  }
0x12: {  	v7 =	vand.u32 $0xFFFFFFF8, v7  }
0x13: {  	v7 =	vor.u32 v1, v7  }
0x14: {  	[tilespmem:s2], [sflag:$0x4] =	stream.linear.gather [hbm4b:s6+s2], $0x600, $0x38;
	[tilespmem:$0xCE00] =	vst v63  }
0x15: {  	_ =	swait.ge [sflag:s9], $0x600  }
0x16: {  	[sflag:s9] =	ssyncset.done $0x0  }
0x17: {  	[sflag:s9] =	ssyncadd.s32 $0xFFFFFA00;
	v8 =	vadd.s32 v2, v6  }
0x18: {  	v8 =	vand.u32 $0xFFFFFFF8, v8;
	v7 =	vld.idx.msk [tilespmem:v7+s2+$0x0], $0xffff  }
0x19: {  	v8 =	vor.u32 v3, v8;
	_ =	sdelay $0x3  }
0x1a: {  	s22 =	simm.s32 $0x10;
	v6 =	vadd.s32 v4, v6;
	[tilespmem:s11+$0x0] =	vst v7  }
0x1b: {  	v6 =	vand.u32 $0xFFFFFFF8, v6;
	v7 =	vld.idx.msk [tilespmem:v8+s2+$0x0], $0xffff;
	v8 =	vmov s22  }
0x1c: {  	v6 =	vor.u32 v5, v6;
	v8 =	vmul.u32 $0x3, v8;
	_ =	sdelay $0x1  }
0x1d: {  	v8 =	vbroadcast v8, $0x0;
	_ =	sdelay $0x1  }
0x1e: {  	[tilespmem:s13+$0x0] =	vst v7;
	v7 =	vadd.s32 v0, v8  }
0x1f: {  	v6 =	vld.idx.msk [tilespmem:v6+s2+$0x0], $0xffff;
	v7 =	vand.u32 $0xFFFFFFF8, v7  }
0x20: {  	v7 =	vor.u32 v1, v7;
	_ =	sdelay $0x3  }
0x21: {  	[tilespmem:s15+$0x0] =	vst v6;
	v6 =	vadd.s32 v2, v8  }
0x22: {  	v7 =	vld.idx.msk [tilespmem:v7+s2+$0x0], $0xffff;
	v6 =	vand.u32 $0xFFFFFFF8, v6  }
0x23: {  	v6 =	vor.u32 v3, v6;
	_ =	sdelay $0x2  }
0x24: {  	s22 =	simm.s32 $0x610  }
0x25: {  	v8 =	vadd.s32 v4, v8;
	[tilespmem:s22+$0x0] =	vst v7  }
0x26: {  	s23 =	simm.s32 $0x20;
	v7 =	vand.u32 $0xFFFFFFF8, v8;
	v6 =	vld.idx.msk [tilespmem:v6+s2+$0x0], $0xffff  }
0x27: {  	s25 =	simm.s32 $0x30;
	s24 =	simm.s32 $0x800;
	v8 =	vmov s23;
	s23 =	simm.s32 $0xA00;
	v7 =	vor.u32 v5, v7  }
.LBB2_2:
0x28: {  	p0 =	sne.s32 s25, $0x1F0;
	v8 =	vmul.u32 $0x3, v8;
	_ =	sdelay $0x1  }
0x29: {  	s24 =	sadd.s32 $0x10, s24;
	v8 =	vbroadcast v8, $0x0  }
0x2a: {  	[tilespmem:s24+$0x0] =	vst v6  }
0x2b: {  	v6 =	vadd.s32 v0, v8;
	v7 =	vld.idx.msk [tilespmem:v7+s2+$0x0], $0xffff  }
0x2c: {  	v6 =	vand.u32 $0xFFFFFFF8, v6  }
0x2d: {  	v6 =	vor.u32 v1, v6;
	_ =	sdelay $0x2  }
0x2e: {  	s23 =	sadd.s32 $0x10, s23  }
0x2f: {  	[tilespmem:s23+$0x0] =	vst v7  }
0x30: {  	v7 =	vadd.s32 v2, v8;
	v6 =	vld.idx.msk [tilespmem:v6+s2+$0x0], $0xffff  }
0x31: {  	v7 =	vand.u32 $0xFFFFFFF8, v7  }
0x32: {  	v7 =	vor.u32 v3, v7;
	_ =	sdelay $0x2  }
.Ltmp0:
0x33: {  	s22 =	sadd.s32 $0x10, s22;
	(pc) =	sbr.rel @p0 .LBB2_2-.Ltmp0, $4  }
0x34: {  	[tilespmem:s22+$0x0] =	vst v6  }
0x35: {  	v6 =	vld.idx.msk [tilespmem:v7+s2+$0x0], $0xffff;
	v7 =	vadd.s32 v4, v8  }
0x36: {  	v7 =	vand.u32 $0xFFFFFFF8, v7  }
0x37: {  	v8 =	vmov s25;
	s25 =	sadd.s32 $0x10, s25;
	v7 =	vor.u32 v5, v7  }
0x38: {  	v8 =	vmul.u32 $0x3, v8;
	_ =	sdelay $0x1  }
0x39: {  	v8 =	vbroadcast v8, $0x0  }
0x3a: {  	s24 =	sadd.s32 $0x10, s24  }
0x3b: {  	[tilespmem:s24+$0x0] =	vst v6;
	v6 =	vadd.s32 v0, v8  }
0x3c: {  	v7 =	vld.idx.msk [tilespmem:v7+s2+$0x0], $0xffff;
	v6 =	vand.u32 $0xFFFFFFF8, v6  }
0x3d: {  	v6 =	vor.u32 v1, v6;
	_ =	sdelay $0x2  }
0x3e: {  	s23 =	sadd.s32 $0x10, s23  }
0x3f: {  	[tilespmem:s23+$0x0] =	vst v7;
	v7 =	vadd.s32 v2, v8  }
0x40: {  	v7 =	vand.u32 $0xFFFFFFF8, v7;
	v6 =	vld.idx.msk [tilespmem:v6+s2+$0x0], $0xffff  }
0x41: {  	v7 =	vor.u32 v3, v7;
	_ =	sdelay $0x2  }
0x42: {  	s22 =	sadd.s32 $0x10, s22  }
0x43: {  	[tilespmem:s22+$0x0] =	vst v6;
	v6 =	vadd.s32 v4, v8  }
0x44: {  	v7 =	vld.idx.msk [tilespmem:v7+s2+$0x0], $0xffff;
	v6 =	vand.u32 $0xFFFFFFF8, v6  }
0x45: {  	v6 =	vor.u32 v5, v6;
	_ =	sdelay $0x2  }
0x46: {  	s29 =	sadd.s32 $0x10, s24  }
0x47: {  	[tilespmem:s29+$0x0] =	vst v7  }
0x48: {  	v6 =	vld.idx.msk [tilespmem:v6+s2+$0x0], $0xffff;
	_ =	sdelay $0x3  }
0x49: {  	s30 =	sadd.s32 $0x10, s23  }
0x4a: {  	[tilespmem:s30+$0x0] =	vst v6  }
0x4b: {  	[tilespmem:s12], [sflag:$0x1] =	stream.indirect.gather [hbm4b:s3+s10], $0x20, s11, s10, $0xb8;
	[tilespmem:$0xCE00] =	vst v63  }
0x4c: {  	_ = 	snop  }
0x4d: {  	[tilespmem:s14], [sflag:$0x2] =	stream.indirect.gather [hbm4b:s4+s10], $0x20, s13, s10, $0xb8;
	[tilespmem:$0xCE00] =	vst v63  }
0x4e: {  	_ = 	snop  }
0x4f: {  	[tilespmem:s16], [sflag:$0x3] =	stream.indirect.gather [hbm4b:s5+s10], $0x20, s15, s10, $0xb8;
	[tilespmem:$0xCE00] =	vst v63  }
0x50: {  	_ =	swait.ge [sflag:s17], $0x4000  }
0x51: {  	[sflag:s17] =	ssyncset.done $0x0  }
0x52: {  	[sflag:s17] =	ssyncadd.s32 $0xFFFFC000  }
0x53: {  	_ =	swait.ge [sflag:s18], $0x4000  }
0x54: {  	[sflag:s18] =	ssyncset.done $0x0  }
0x55: {  	[sflag:s18] =	ssyncadd.s32 $0xFFFFC000  }
0x56: {  	_ =	swait.ge [sflag:s19], $0x4000  }
0x57: {  	[sflag:s19] =	ssyncset.done $0x0  }
0x58: {  	s31 =	simm.s32 $0x0;
	[sflag:s19] =	ssyncadd.s32 $0xFFFFC000  }
0x59: {  	v6 =	vld [tilespmem:s31+$0x8DE0]  }
0x5a: {  	v15 =	vld [tilespmem:s31+$0x8DC0]  }
0x5b: {  	v16 =	vld [tilespmem:s31+$0x8DD0]  }
0x5c: {  	v17 =	vld [tilespmem:s31+$0xDC0]  }
0x5d: {  	v18 =	vld [tilespmem:s31+$0x4DC0]  }
0x5e: {  	v19 =	vld [tilespmem:s31+$0xDD0]  }
0x5f: {  	v20 =	vld [tilespmem:s31+$0x4DD0]  }
0x60: {  	v21 =	vld [tilespmem:s31+$0x8D80]  }
0x61: {  	v22 =	vld [tilespmem:s31+$0x8D90]  }
0x62: {  	v11 =	vld [tilespmem:s31+$0xDB0]  }
0x63: {  	v23 =	vld [tilespmem:s31+$0x8D60]  }
0x64: {  	v24 =	vld [tilespmem:s31+$0x8D70]  }
0x65: {  	v25 =	vld [tilespmem:s31+$0xD80]  }
0x66: {  	v26 =	vld [tilespmem:s31+$0x4D80]  }
0x67: {  	v27 =	vld [tilespmem:s31+$0xD90]  }
0x68: {  	v28 =	vld [tilespmem:s31+$0x4D90]  }
0x69: {  	v29 =	vld [tilespmem:s31+$0xD60]  }
0x6a: {  	v30 =	vld [tilespmem:s31+$0x4D60]  }
0x6b: {  	v31 =	vld [tilespmem:s31+$0xD70]  }
0x6c: {  	v32 =	vld [tilespmem:s31+$0x4D70]  }
0x6d: {  	v33 =	vld [tilespmem:s31+$0x8D20]  }
0x6e: {  	v34 =	vld [tilespmem:s31+$0x8D30]  }
0x6f: {  	v12 =	vld [tilespmem:s31+$0xD40]  }
0x70: {  	v13 =	vld [tilespmem:s31+$0x4D40]  }
0x71: {  	v14 =	vld [tilespmem:s31+$0xD50]  }
0x72: {  	v35 =	vld [tilespmem:s31+$0x8D00]  }
0x73: {  	v36 =	vld [tilespmem:s31+$0x8D10]  }
0x74: {  	v37 =	vld [tilespmem:s31+$0xD20]  }
0x75: {  	v38 =	vld [tilespmem:s31+$0x4D20]  }
0x76: {  	v39 =	vld [tilespmem:s31+$0xD30]  }
0x77: {  	v40 =	vld [tilespmem:s31+$0x4D30]  }
0x78: {  	v41 =	vld [tilespmem:s31+$0xD00]  }
0x79: {  	v42 =	vld [tilespmem:s31+$0x4D00]  }
0x7a: {  	v43 =	vld [tilespmem:s31+$0xD10]  }
0x7b: {  	v44 =	vld [tilespmem:s31+$0x4D10]  }
0x7c: {  	v45 =	vld [tilespmem:s31+$0x8CC0]  }
0x7d: {  	v46 =	vld [tilespmem:s31+$0x8CD0]  }
0x7e: {  	v47 =	vld [tilespmem:s31+$0xCE0]  }
0x7f: {  	v48 =	vld [tilespmem:s31+$0x4CE0]  }
0x80: {  	v49 =	vld [tilespmem:s31+$0xCF0]  }
0x81: {  	v50 =	vld [tilespmem:s31+$0x8CA0]  }
0x82: {  	v51 =	vld [tilespmem:s31+$0x8CB0]  }
0x83: {  	v52 =	vld [tilespmem:s31+$0xCC0]  }
0x84: {  	v53 =	vld [tilespmem:s31+$0x4CC0]  }
0x85: {  	v54 =	vld [tilespmem:s31+$0xCD0]  }
0x86: {  	v55 =	vld [tilespmem:s31+$0x4CD0]  }
0x87: {  	v56 =	vld [tilespmem:s31+$0xCA0]  }
0x88: {  	v57 =	vld [tilespmem:s31+$0x4CA0]  }
0x89: {  	v58 =	vld [tilespmem:s31+$0xCB0]  }
0x8a: {  	v59 =	vld [tilespmem:s31+$0x4CB0]  }
0x8b: {  	v60 =	vld [tilespmem:s31+$0x8C60]  }
0x8c: {  	v61 =	vld [tilespmem:s31+$0x8C70]  }
0x8d: {  	v62 =	vld [tilespmem:s31+$0xC80]  }
0x8e: {  	[tilespmem:$0x1FFF0] =	vst v6;
	v6 =	vld [tilespmem:s31+$0xDE0]  }
0x8f: {  	v63 =	vld [tilespmem:s31+$0x4C80]  }
0x90: {  	v10 =	vld [tilespmem:s31+$0xC90]  }
0x91: {  	v8 =	vld [tilespmem:s31+$0x8C40]  }
0x92: {  	v9 =	vld [tilespmem:s31+$0x8C50]  }
0x93: {  	[tilespmem:$0x1FFD0] =	vst v6;
	v6 =	vld [tilespmem:s31+$0x4DE0]  }
0x94: {  	v7 =	vld [tilespmem:s31+$0xC60]  }
0x95: {  	v17 =	vmul.f32 v18, v17;
	v18 =	vmul.f32 v20, v19;
	v19 =	vld [tilespmem:s31+$0xC70]  }
0x96: {  	v20 =	vld [tilespmem:s31+$0x4C70]  }
0x97: {  	v43 =	vmul.f32 v44, v43;
	v44 =	vmul.f32 v53, v52;
	v53 =	vld [tilespmem:s31+$0x4C10]  }
0x98: {  	[tilespmem:$0x1FFE0] =	vst v6;
	v6 =	vld [tilespmem:s31+$0xDA0]  }
0x99: {  	v52 =	vmul.f32 v55, v54;
	v54 =	vmul.f32 v57, v56;
	v56 =	vld [tilespmem:s31+$0xC20]  }
0x9a: {  	v57 =	vld [tilespmem:s31+$0x4C20]  }
0x9b: {  	v55 =	vmul.f32 v59, v58;
	v59 =	vld [tilespmem:s31+$0xC30]  }
0x9c: {  	v15 =	vmul.f32 v15, v17;
	v17 =	vld [tilespmem:s31+$0x8C00]  }
0x9d: {  	v16 =	vmul.f32 v16, v18;
	v18 =	vmul.f32 v26, v25;
	[tilespmem:$0x1FFB0] =	vst v6;
	v6 =	vld [tilespmem:s31+$0x4DA0]  }
0x9e: {  	v25 =	vmul.f32 v28, v27;
	v27 =	vmul.f32 v30, v29;
	v29 =	vld [tilespmem:s31+$0xC40]  }
0x9f: {  	v28 =	vmul.f32 v32, v31;
	v30 =	vld [tilespmem:s31+$0x4C50];
	v31 =	vmul.f32 v42, v41  }
0xa0: {  	v18 =	vmul.f32 v21, v18;
	v21 =	vmul.f32 v22, v25;
	v22 =	vld [tilespmem:s31+$0x4C40]  }
0xa1: {  	v32 =	vmul.f32 v36, v43;
	v36 =	vmul.f32 v46, v52;
	v25 =	vld [tilespmem:s31+$0xC50]  }
0xa2: {  	v23 =	vmul.f32 v23, v27;
	v27 =	vmul.f32 v38, v37;
	[tilespmem:$0x1FFC0] =	vst v6;
	v6 =	vld [tilespmem:s31+$0x4C60]  }
0xa3: {  	v24 =	vmul.f32 v24, v28;
	v28 =	vmul.f32 v40, v39;
	v37 =	vld [tilespmem:s31+$0x4C00]  }
0xa4: {  	v58 =	vmul.f32 v51, v55;
	v27 =	vmul.f32 v33, v27;
	v33 =	vld [tilespmem:s31+$0xC00]  }
0xa5: {  	v31 =	vmul.f32 v35, v31;
	v15 =	vadd.f32 v16, v15;
	v28 =	vmul.f32 v34, v28;
	v34 =	vld [tilespmem:s31+$0xC10]  }
0xa6: {  	v26 =	vld [tilespmem:s31+$0x8C10];
	v35 =	vmul.f32 v45, v44;
	v18 =	vadd.f32 v21, v18;
	v21 =	vmul.f32 v30, v25  }
0xa7: {  	(xrf2) =	vadd.scan.msk.f32 $0xffff, v15;
	v15 =	vadd.f32 v24, v23;
	v6 =	vmul.f32 v6, v7;
	v7 =	vmul.f32 v20, v19;
	v19 =	vld [tilespmem:s31+$0x4C30]  }
0xa8: {  	v16 =	vmul.f32 v50, v54;
	v23 =	vld [tilespmem:s31+$0x8C30];
	(xrf2) =	vadd.scan.msk.f32 $0xffff, v18;
	v18 =	vadd.f32 v28, v27;
	v9 =	vmul.f32 v9, v21  }
0xa9: {  	(xrf2) =	vadd.scan.msk.f32 $0xffff, v15;
	v15 =	vadd.f32 v32, v31;
	v21 =	vmul.f32 v37, v33;
	v20 =	vmul.f32 v22, v29;
	v22 =	vld [tilespmem:s31+$0x8C20]  }
0xaa: {  	v27 =	vld [tilespmem:s31+$0x8C90];
	(xrf2) =	vadd.scan.msk.f32 $0xffff, v18;
	v18 =	vadd.f32 v36, v35;
	v24 =	vmul.f32 v53, v34;
	v6 =	vmul.f32 v60, v6  }
0xab: {  	(xrf2) =	vadd.scan.msk.f32 $0xffff, v15;
	v7 =	vmul.f32 v61, v7;
	v8 =	vmul.f32 v8, v20;
	v20 =	vld [tilespmem:s31+$0x4C90]  }
0xac: {  	v15 =	vadd.f32 v58, v16;
	v16 =	vmul.f32 v57, v56;
	(xrf2) =	vadd.scan.msk.f32 $0xffff, v18;
	v18 =	vld [tilespmem:s31+$0x4CF0];
	v19 =	vmul.f32 v19, v59  }
0xad: {  	v25 =	vld [tilespmem:s31+$0x8C80];
	v6 =	vadd.f32 v7, v6;
	v7 =	vmul.f32 v17, v21;
	v17 =	vmul.f32 v26, v24  }
0xae: {  	(xrf2) =	vadd.scan.msk.f32 $0xffff, v15;
	v8 =	vadd.f32 v9, v8;
	v9 =	vmul.f32 v22, v16;
	v16 =	vld [tilespmem:s31+$0x8CE0];
	v15 =	vmul.f32 v23, v19  }
0xaf: {  	(xrf2) =	vadd.scan.msk.f32 $0xffff, v6;
	v6 =	vadd.f32 v17, v7;
	v17 =	vld [tilespmem:s31+$0x8CF0]  }
0xb0: {  	v7 =	vmul.f32 v63, v62;
	v10 =	vmul.f32 v20, v10;
	(xrf2) =	vadd.scan.msk.f32 $0xffff, v8;
	v8 =	vadd.f32 v15, v9;
	v9 =	vld [tilespmem:s31+$0x4D50]  }
0xb1: {  	v18 =	vmul.f32 v18, v49;
	v19 =	vmul.f32 v48, v47;
	v20 =	vld [tilespmem:s31+$0x8D50]  }
0xb2: {  	(xrf2) =	vadd.scan.msk.f32 $0xffff, v6;
	v6 =	vmul.f32 v25, v7;
	v7 =	vmul.f32 v27, v10;
	v10 =	vld [tilespmem:s31+$0x8D40]  }
0xb3: {  	v12 =	vmul.f32 v13, v12;
	v13 =	vld [tilespmem:s31+$0x8DB0]  }
0xb4: {  	v22 =	vld [tilespmem:$0x1FFB0];
	v16 =	vmul.f32 v16, v19;
	v17 =	vmul.f32 v17, v18  }
0xb5: {  	v23 =	vld [tilespmem:$0x1FFC0];
	v6 =	vadd.f32 v7, v6;
	v9 =	vmul.f32 v9, v14  }
0xb6: {  	v15, _, _ =	vpop (xrf2);
	(xrf2) =	vadd.scan.msk.f32 $0xffff, v8;
	v7 =	vld [tilespmem:s31+$0x4DB0];
	v14 =	vadd.f32 v17, v16  }
0xb7: {  	v8, _, _ =	vpop (xrf2);
	(xrf2) =	vadd.scan.msk.f32 $0xffff, v6;
	v16 =	vld [tilespmem:s31+$0xDF0];
	v10 =	vmul.f32 v10, v12;
	v9 =	vmul.f32 v20, v9  }
0xb8: {  	v21, _, _ =	vpop (xrf2);
	(xrf2) =	vadd.scan.msk.f32 $0xffff, v14;
	v14 =	vld [tilespmem:$0x1FFE0]  }
0xb9: {  	v19, _, _ =	vpop (xrf2);
	v9 =	vadd.f32 v9, v10;
	v10 =	vld [tilespmem:$0x1FFD0]  }
0xba: {  	v12 =	vld [tilespmem:s31+$0x4DF0];
	v6, _, _ =	vpop (xrf2)  }
0xbb: {  	v17, _, _ =	vpop (xrf2);
	(xrf2) =	vadd.scan.msk.f32 $0xffff, v9;
	v9 =	vld [tilespmem:$0x1FFF0]  }
0xbc: {  	v18 =	vld [tilespmem:s31+$0x8DA0];
	v20, _, _ =	vpop (xrf2)  }
0xbd: {  	v7 =	vmul.f32 v7, v11;
	v11, _, _ =	vpop (xrf2)  }
0xbe: {  	v22 =	vmul.f32 v23, v22;
	v23, _, _ =	vpop (xrf2);
	v10 =	vmul.f32 v14, v10  }
0xbf: {  	v7 =	vmul.f32 v13, v7;
	v13, _, _ =	vpop (xrf2)  }
0xc0: {  	v9 =	vmul.f32 v9, v10;
	v10 =	vmul.f32 v12, v16;
	v12, _, _ =	vpop (xrf2)  }
0xc1: {  	v18 =	vmul.f32 v18, v22;
	v12 =	vbroadcast v12, $0xF  }
0xc2: {  	v14 =	vld [tilespmem:s31+$0x8DF0]  }
0xc3: {  	v7 =	vadd.f32 v7, v18;
	v13 =	vbroadcast v13, $0xF;
	_ =	sdelay $0x1  }
0xc4: {  	(xrf2) =	vadd.scan.msk.f32 $0xffff, v7;
	v7 =	vsel vm0, v13, v12;
	v12, _, _ =	vpop (xrf2)  }
0xc5: {  	v16 =	vbroadcast v23, $0xF;
	v12 =	vbroadcast v12, $0xF  }
0xc6: {  	v11 =	vbroadcast v11, $0xF;
	v10 =	vmul.f32 v14, v10  }
0xc7: {  	v7 =	vsel vm1, v7, v16  }
0xc8: {  	v9 =	vadd.f32 v10, v9;
	v7 =	vsel vm2, v7, v11;
	v10 =	vbroadcast v20, $0xF  }
0xc9: {  	v11 =	vbroadcast v17, $0xF;
	v7 =	vsel vm3, v7, v12;
	v12, _, _ =	vpop (xrf2)  }
0xca: {  	v7 =	vsel vm4, v7, v10;
	(xrf2) =	vadd.scan.msk.f32 $0xffff, v9;
	v9 =	vbroadcast v12, $0xF  }
0xcb: {  	v6 =	vbroadcast v6, $0xF;
	v7 =	vsel vm5, v7, v11  }
0xcc: {  	v10, _, _ =	vpop (xrf2);
	v7 =	vsel vm6, v7, v9;
	v9 =	vbroadcast v19, $0xF  }
0xcd: {  	v6 =	vsel vm7, v7, v6;
	v7 =	vbroadcast v10, $0xF  }
0xce: {  	v6 =	vsel vm8, v6, v9;
	v9 =	vbroadcast v21, $0xF  }
0xcf: {  	v6 =	vsel vm9, v6, v7;
	v7 =	vbroadcast v8, $0xF  }
0xd0: {  	v6 =	vsel vm10, v6, v9  }
0xd1: {  	v8, _, _ =	vpop (xrf2);
	v6 =	vsel vm11, v6, v7;
	v7 =	vbroadcast v15, $0xF  }
0xd2: {  	v8 =	vbroadcast v8, $0xF;
	_ =	sdelay $0x1  }
0xd3: {  	v6 =	vsel vm12, v6, v8  }
0xd4: {  	v6 =	vsel vm13, v6, v7;
	v7, _, _ =	vpop (xrf2)  }
0xd5: {  	s22 =	simm.s32 $0xCC00;
	v6 =	vsel vm14, v6, v7  }
0xd6: {  	s23 =	simm.s32 $0x200;
	[tilespmem:s22+$0x0] =	vst v6  }
0xd7: {  	v6 =	vld [tilespmem:s23+$0x8DE0]  }
0xd8: {  	v7 =	vld [tilespmem:s23+$0xDE0]  }
0xd9: {  	v8 =	vld [tilespmem:s23+$0x4DE0]  }
0xda: {  	v15 =	vld [tilespmem:s23+$0x8DC0]  }
0xdb: {  	v19 =	vld [tilespmem:s23+$0x8DD0]  }
0xdc: {  	v20 =	vld [tilespmem:s23+$0xDC0]  }
0xdd: {  	v22 =	vld [tilespmem:s23+$0x4DC0]  }
0xde: {  	v23 =	vld [tilespmem:s23+$0xDD0]  }
0xdf: {  	v24 =	vld [tilespmem:s23+$0x4DD0]  }
0xe0: {  	v26 =	vld [tilespmem:s23+$0x8D80]  }
0xe1: {  	v27 =	vld [tilespmem:s23+$0x8D90]  }
0xe2: {  	v9 =	vld [tilespmem:s23+$0xDA0]  }
0xe3: {  	v10 =	vld [tilespmem:s23+$0x4DA0]  }
0xe4: {  	v11 =	vld [tilespmem:s23+$0xDB0]  }
0xe5: {  	v28 =	vld [tilespmem:s23+$0x8D60]  }
0xe6: {  	v29 =	vld [tilespmem:s23+$0x8D70]  }
0xe7: {  	v25 =	vld [tilespmem:s23+$0xD80]  }
0xe8: {  	v30 =	vld [tilespmem:s23+$0x4D80]  }
0xe9: {  	v31 =	vld [tilespmem:s23+$0xD90]  }
0xea: {  	v32 =	vld [tilespmem:s23+$0x4D90]  }
0xeb: {  	v33 =	vld [tilespmem:s23+$0xD60]  }
0xec: {  	v34 =	vld [tilespmem:s23+$0x4D60]  }
0xed: {  	v35 =	vld [tilespmem:s23+$0xD70]  }
0xee: {  	v36 =	vld [tilespmem:s23+$0x4D70]  }
0xef: {  	v37 =	vld [tilespmem:s23+$0x8D20]  }
0xf0: {  	v38 =	vld [tilespmem:s23+$0x8D30]  }
0xf1: {  	v12 =	vld [tilespmem:s23+$0xD40]  }
0xf2: {  	v13 =	vld [tilespmem:s23+$0x4D40]  }
0xf3: {  	v14 =	vld [tilespmem:s23+$0xD50]  }
0xf4: {  	v39 =	vld [tilespmem:s23+$0x8D00]  }
0xf5: {  	v40 =	vld [tilespmem:s23+$0x8D10]  }
0xf6: {  	v41 =	vld [tilespmem:s23+$0xD20]  }
0xf7: {  	v42 =	vld [tilespmem:s23+$0x4D20]  }
0xf8: {  	v43 =	vld [tilespmem:s23+$0xD30]  }
0xf9: {  	v44 =	vld [tilespmem:s23+$0x4D30]  }
0xfa: {  	v45 =	vld [tilespmem:s23+$0xD00]  }
0xfb: {  	v46 =	vld [tilespmem:s23+$0x4D00]  }
0xfc: {  	v47 =	vld [tilespmem:s23+$0xD10]  }
0xfd: {  	v48 =	vld [tilespmem:s23+$0x4D10]  }
0xfe: {  	v49 =	vld [tilespmem:s23+$0x8CC0]  }
0xff: {  	v50 =	vld [tilespmem:s23+$0x8CD0]  }
0x100: {  	v16 =	vld [tilespmem:s23+$0xCE0]  }
0x101: {  	v17 =	vld [tilespmem:s23+$0x4CE0]  }
0x102: {  	v18 =	vld [tilespmem:s23+$0xCF0]  }
0x103: {  	v51 =	vld [tilespmem:s23+$0x8CA0]  }
0x104: {  	v52 =	vld [tilespmem:s23+$0x8CB0]  }
0x105: {  	v53 =	vld [tilespmem:s23+$0xCC0]  }
0x106: {  	v54 =	vld [tilespmem:s23+$0x4CC0]  }
0x107: {  	v55 =	vld [tilespmem:s23+$0xCD0]  }
0x108: {  	v56 =	vld [tilespmem:s23+$0x4CD0]  }
0x109: {  	v57 =	vld [tilespmem:s23+$0xCA0]  }
0x10a: {  	v58 =	vld [tilespmem:s23+$0x4CA0]  }
0x10b: {  	v59 =	vld [tilespmem:s23+$0xCB0]  }
0x10c: {  	v60 =	vld [tilespmem:s23+$0x4CB0]  }
0x10d: {  	v61 =	vld [tilespmem:s23+$0x8C60];
	v20 =	vmul.f32 v22, v20;
	v24 =	vmul.f32 v24, v23  }
0x10e: {  	v62 =	vld [tilespmem:s23+$0x8C70];
	v36 =	vmul.f32 v36, v35  }
0x10f: {  	v21 =	vld [tilespmem:s23+$0xC80];
	v15 =	vmul.f32 v15, v20;
	v19 =	vmul.f32 v19, v24  }
0x110: {  	v63 =	vld [tilespmem:s23+$0x4C70];
	v20 =	vmul.f32 v30, v25;
	v30 =	vmul.f32 v32, v31  }
0x111: {  	v22 =	vld [tilespmem:s23+$0x4C80];
	v55 =	vmul.f32 v56, v55;
	v31 =	vmul.f32 v34, v33  }
0x112: {  	v23 =	vld [tilespmem:s23+$0xC90];
	v20 =	vmul.f32 v26, v20;
	v26 =	vmul.f32 v27, v30;
	v15 =	vadd.f32 v19, v15  }
0x113: {  	v56 =	vld [tilespmem:s23+$0x4C50];
	v19 =	vmul.f32 v28, v31;
	v27 =	vmul.f32 v29, v36  }
0x114: {  	v24 =	vld [tilespmem:s23+$0x8C40];
	v20 =	vadd.f32 v26, v20;
	(xrf2) =	vadd.scan.msk.f32 $0xffff, v15  }
0x115: {  	v25 =	vld [tilespmem:s23+$0x8C50];
	v28 =	vmul.f32 v44, v43;
	v15 =	vadd.f32 v27, v19;
	v19 =	vmul.f32 v42, v41  }
0x116: {  	v33 =	vld [tilespmem:s23+$0xC60];
	(xrf2) =	vadd.scan.msk.f32 $0xffff, v20  }
0x117: {  	v34 =	vld [tilespmem:s23+$0x4C60];
	(xrf2) =	vadd.scan.msk.f32 $0xffff, v15;
	v15 =	vmul.f32 v37, v19;
	v19 =	vmul.f32 v38, v28  }
0x118: {  	v31 =	vld [tilespmem:s23+$0xC70];
	v29 =	vmul.f32 v48, v47;
	v20 =	vmul.f32 v46, v45  }
0x119: {  	v47 =	vld [tilespmem:s23+$0x4C40];
	v15 =	vadd.f32 v19, v15  }
0x11a: {  	v48 =	vld [tilespmem:s23+$0xC50];
	v30 =	vmul.f32 v40, v29;
	v20 =	vmul.f32 v39, v20  }
0x11b: {  	v26 =	vld [tilespmem:s23+$0x8C00];
	v29 =	vmul.f32 v54, v53;
	(xrf2) =	vadd.scan.msk.f32 $0xffff, v15  }
0x11c: {  	v32 =	vmul.f32 v50, v55;
	v27 =	vld [tilespmem:s23+$0x8C10];
	v20 =	vadd.f32 v30, v20  }
0x11d: {  	v34 =	vmul.f32 v34, v33;
	v33 =	vld [tilespmem:s23+$0x4C20];
	v19 =	vmul.f32 v49, v29  }
0x11e: {  	v58 =	vmul.f32 v58, v57;
	v59 =	vmul.f32 v60, v59;
	v46 =	vld [tilespmem:s23+$0xC40];
	v15, _, _ =	vpop (xrf2);
	(xrf2) =	vadd.scan.msk.f32 $0xffff, v20  }
0x11f: {  	v28 =	vld [tilespmem:s23+$0x4C00];
	v60 =	vadd.f32 v32, v19  }
0x120: {  	v36 =	vmul.f32 v51, v58;
	v40 =	vmul.f32 v52, v59;
	v29 =	vld [tilespmem:s23+$0xC00]  }
0x121: {  	v63 =	vmul.f32 v63, v31;
	v30 =	vld [tilespmem:s23+$0xC10];
	v19, _, _ =	vpop (xrf2);
	(xrf2) =	vadd.scan.msk.f32 $0xffff, v60  }
0x122: {  	v40 =	vadd.f32 v40, v36;
	v32 =	vld [tilespmem:s23+$0x4C10]  }
0x123: {  	v31 =	vld [tilespmem:s23+$0xC20];
	v35 =	vmul.f32 v61, v34;
	v36 =	vmul.f32 v62, v63  }
0x124: {  	s24 =	simm.s32 $0x1000;
	v34 =	vld [tilespmem:s23+$0xC30];
	v38 =	vmul.f32 v56, v48;
	v37 =	vmul.f32 v47, v46;
	v20, _, _ =	vpop (xrf2);
	(xrf2) =	vadd.scan.msk.f32 $0xffff, v40  }
.LBB2_4:
0x125: {  	p0 =	sne.s32 s24, $0xF800;
	v39 =	vld [tilespmem:s23+$0x4C30];
	v35 =	vadd.f32 v36, v35;
	v36, _, _ =	vpop (xrf2)  }
0x126: {  	v40 =	vld [tilespmem:s23+$0x8C20];
	v24 =	vmul.f32 v24, v37;
	v25 =	vmul.f32 v25, v38  }
0x127: {  	v28 =	vmul.f32 v28, v29;
	v29 =	vmul.f32 v32, v30;
	v30 =	vld [tilespmem:s23+$0x8C30];
	(xrf2) =	vadd.scan.msk.f32 $0xffff, v35  }
0x128: {  	v24 =	vadd.f32 v25, v24;
	v25 =	vld [tilespmem:s23+$0x4C90];
	v32, _, _ =	vpop (xrf2)  }
0x129: {  	v26 =	vmul.f32 v26, v28;
	v35 =	vmul.f32 v27, v29;
	v28 =	vld [tilespmem:s23+$0x8C80]  }
0x12a: {  	v29 =	vmul.f32 v33, v31;
	v31 =	vmul.f32 v39, v34;
	v33 =	vld [tilespmem:s23+$0x8C90];
	(xrf2) =	vadd.scan.msk.f32 $0xffff, v24  }
0x12b: {  	v24 =	vadd.f32 v35, v26;
	v26 =	vld [tilespmem:s23+$0x4CF0];
	v27, _, _ =	vpop (xrf2)  }
0x12c: {  	v34 =	vmul.f32 v40, v29;
	v30 =	vmul.f32 v30, v31;
	v31 =	vld [tilespmem:s23+$0x8CE0]  }
0x12d: {  	v21 =	vmul.f32 v22, v21;
	v22 =	vmul.f32 v25, v23;
	v23 =	vld [tilespmem:s23+$0x8CF0];
	(xrf2) =	vadd.scan.msk.f32 $0xffff, v24  }
0x12e: {  	v30 =	vadd.f32 v30, v34;
	v25 =	vld [tilespmem:s23+$0x4D50];
	v29, _, _ =	vpop (xrf2)  }
0x12f: {  	v21 =	vmul.f32 v28, v21;
	v22 =	vmul.f32 v33, v22;
	v28 =	vld [tilespmem:s23+$0x8D40]  }
0x130: {  	v16 =	vmul.f32 v17, v16;
	v17 =	vmul.f32 v26, v18;
	v18 =	vld [tilespmem:s23+$0x8D50];
	(xrf2) =	vadd.scan.msk.f32 $0xffff, v30  }
0x131: {  	v26 =	vadd.f32 v22, v21;
	v22 =	vld [tilespmem:s23+$0x4DB0];
	v24, _, _ =	vpop (xrf2)  }
0x132: {  	v16 =	vmul.f32 v31, v16;
	v17 =	vmul.f32 v23, v17;
	v23 =	vld [tilespmem:s23+$0x8DA0]  }
0x133: {  	v12 =	vmul.f32 v13, v12;
	v13 =	vmul.f32 v25, v14;
	v14 =	vld [tilespmem:s23+$0x8DB0];
	(xrf2) =	vadd.scan.msk.f32 $0xffff, v26  }
0x134: {  	v16 =	vadd.f32 v17, v16;
	v17 =	vld [tilespmem:s23+$0xDF0];
	v21, _, _ =	vpop (xrf2)  }
0x135: {  	v25 =	vmul.f32 v28, v12;
	v13 =	vmul.f32 v18, v13;
	v18 =	vld [tilespmem:s23+$0x4DF0]  }
0x136: {  	v9 =	vmul.f32 v10, v9;
	v10 =	vmul.f32 v22, v11;
	(xrf2) =	vadd.scan.msk.f32 $0xffff, v16  }
0x137: {  	v7 =	vmul.f32 v8, v7;
	v11 =	vadd.f32 v13, v25;
	v8 =	vld [tilespmem:s23+$0x8DF0];
	v12, _, _ =	vpop (xrf2)  }
0x138: {  	v9 =	vmul.f32 v23, v9;
	v13 =	vmul.f32 v14, v10  }
0x139: {  	(xrf2) =	vadd.scan.msk.f32 $0xffff, v11  }
0x13a: {  	v6 =	vmul.f32 v6, v7;
	v9 =	vadd.f32 v13, v9;
	v7 =	vmul.f32 v18, v17;
	v10, _, _ =	vpop (xrf2)  }
0x13b: {  	v11 =	vbroadcast v12, $0xF;
	v13 =	vbroadcast v10, $0xF  }
0x13c: {  	v12 =	vbroadcast v21, $0xF;
	v7 =	vmul.f32 v8, v7;
	(xrf2) =	vadd.scan.msk.f32 $0xffff, v9  }
0x13d: {  	v9 =	vbroadcast v24, $0xF;
	v8 =	vsel vm0, v11, v13;
	v10, _, _ =	vpop (xrf2)  }
0x13e: {  	v8 =	vsel vm1, v8, v12;
	v11 =	vbroadcast v10, $0xF;
	v6 =	vadd.f32 v7, v6  }
0x13f: {  	v7 =	vsel vm2, v8, v9;
	v8 =	vbroadcast v29, $0xF  }
0x140: {  	v7 =	vsel vm3, v7, v11;
	v11 =	vbroadcast v27, $0xF;
	v10, _, _ =	vpop (xrf2);
	(xrf2) =	vadd.scan.msk.f32 $0xffff, v6  }
0x141: {  	v6 =	vsel vm4, v7, v8;
	v7 =	vbroadcast v10, $0xF  }
0x142: {  	v8 =	vbroadcast v32, $0xF;
	v6 =	vsel vm5, v6, v11  }
0x143: {  	v6 =	vsel vm6, v6, v7;
	v7 =	vbroadcast v36, $0xF;
	v9, _, _ =	vpop (xrf2)  }
0x144: {  	v6 =	vsel vm7, v6, v8;
	v8 =	vbroadcast v9, $0xF  }
0x145: {  	v6 =	vsel vm8, v6, v7;
	v7 =	vbroadcast v20, $0xF  }
0x146: {  	v6 =	vsel vm9, v6, v8;
	v8 =	vbroadcast v19, $0xF;
	v9, _, _ =	vpop (xrf2)  }
0x147: {  	v6 =	vsel vm10, v6, v7;
	v9 =	vbroadcast v9, $0xF  }
0x148: {  	v6 =	vsel vm11, v6, v8;
	v8 =	vbroadcast v15, $0xF  }
0x149: {  	v6 =	vsel vm12, v6, v9  }
0x14a: {  	v6 =	vsel vm13, v6, v8;
	v7, _, _ =	vpop (xrf2)  }
0x14b: {  	s22 =	sadd.s32 $0x10, s22;
	v6 =	vsel vm14, v6, v7  }
0x14c: {  	s23 =	sshra.s32 s24, $0x2;
	[tilespmem:s22+$0x0] =	vst v6  }
0x14d: {  	v6 =	vld [tilespmem:s23+$0x8DE0]  }
0x14e: {  	v7 =	vld [tilespmem:s23+$0xDE0]  }
0x14f: {  	v8 =	vld [tilespmem:s23+$0x4DE0]  }
0x150: {  	v15 =	vld [tilespmem:s23+$0x8DC0]  }
0x151: {  	v19 =	vld [tilespmem:s23+$0x8DD0]  }
0x152: {  	v20 =	vld [tilespmem:s23+$0xDC0]  }
0x153: {  	v21 =	vld [tilespmem:s23+$0x4DC0]  }
0x154: {  	v22 =	vld [tilespmem:s23+$0xDD0]  }
0x155: {  	v23 =	vld [tilespmem:s23+$0x4DD0]  }
0x156: {  	v24 =	vld [tilespmem:s23+$0x8D80]  }
0x157: {  	v25 =	vld [tilespmem:s23+$0x8D90]  }
0x158: {  	v9 =	vld [tilespmem:s23+$0xDA0]  }
0x159: {  	v10 =	vld [tilespmem:s23+$0x4DA0]  }
0x15a: {  	v11 =	vld [tilespmem:s23+$0xDB0]  }
0x15b: {  	v26 =	vld [tilespmem:s23+$0x8D60]  }
0x15c: {  	v27 =	vld [tilespmem:s23+$0x8D70]  }
0x15d: {  	v28 =	vld [tilespmem:s23+$0xD80]  }
0x15e: {  	v29 =	vld [tilespmem:s23+$0x4D80]  }
0x15f: {  	v30 =	vld [tilespmem:s23+$0xD90]  }
0x160: {  	v31 =	vld [tilespmem:s23+$0x4D90]  }
0x161: {  	v32 =	vld [tilespmem:s23+$0xD60]  }
0x162: {  	v33 =	vld [tilespmem:s23+$0x4D60]  }
0x163: {  	v34 =	vld [tilespmem:s23+$0xD70]  }
0x164: {  	v35 =	vld [tilespmem:s23+$0x4D70]  }
0x165: {  	v36 =	vld [tilespmem:s23+$0x8D20]  }
0x166: {  	v37 =	vld [tilespmem:s23+$0x8D30]  }
0x167: {  	v12 =	vld [tilespmem:s23+$0xD40]  }
0x168: {  	v13 =	vld [tilespmem:s23+$0x4D40]  }
0x169: {  	v14 =	vld [tilespmem:s23+$0xD50]  }
0x16a: {  	v38 =	vld [tilespmem:s23+$0x8D00]  }
0x16b: {  	v39 =	vld [tilespmem:s23+$0x8D10]  }
0x16c: {  	v40 =	vld [tilespmem:s23+$0xD20]  }
0x16d: {  	v41 =	vld [tilespmem:s23+$0x4D20]  }
0x16e: {  	v42 =	vld [tilespmem:s23+$0xD30]  }
0x16f: {  	v43 =	vld [tilespmem:s23+$0x4D30]  }
0x170: {  	v44 =	vld [tilespmem:s23+$0xD00]  }
0x171: {  	v45 =	vld [tilespmem:s23+$0x4D00]  }
0x172: {  	v46 =	vld [tilespmem:s23+$0xD10]  }
0x173: {  	v47 =	vld [tilespmem:s23+$0x4D10]  }
0x174: {  	v48 =	vld [tilespmem:s23+$0x8CC0]  }
0x175: {  	v49 =	vld [tilespmem:s23+$0x8CD0]  }
0x176: {  	v16 =	vld [tilespmem:s23+$0xCE0]  }
0x177: {  	v17 =	vld [tilespmem:s23+$0x4CE0]  }
0x178: {  	v18 =	vld [tilespmem:s23+$0xCF0]  }
0x179: {  	v50 =	vld [tilespmem:s23+$0x8CA0]  }
0x17a: {  	v51 =	vld [tilespmem:s23+$0x8CB0]  }
0x17b: {  	v52 =	vld [tilespmem:s23+$0xCC0]  }
0x17c: {  	v53 =	vld [tilespmem:s23+$0x4CC0]  }
0x17d: {  	v54 =	vld [tilespmem:s23+$0xCD0]  }
0x17e: {  	v55 =	vld [tilespmem:s23+$0x4CD0]  }
0x17f: {  	v56 =	vld [tilespmem:s23+$0xCA0]  }
0x180: {  	v57 =	vld [tilespmem:s23+$0x4CA0]  }
0x181: {  	v58 =	vld [tilespmem:s23+$0xCB0]  }
0x182: {  	v20 =	vmul.f32 v21, v20;
	v21 =	vmul.f32 v23, v22;
	v59 =	vld [tilespmem:s23+$0x4CB0]  }
0x183: {  	v60 =	vld [tilespmem:s23+$0x8C60]  }
0x184: {  	v15 =	vmul.f32 v15, v20;
	v19 =	vmul.f32 v19, v21;
	v61 =	vld [tilespmem:s23+$0x8C70]  }
0x185: {  	v20 =	vmul.f32 v29, v28;
	v28 =	vmul.f32 v31, v30;
	v21 =	vld [tilespmem:s23+$0xC80]  }
0x186: {  	v15 =	vadd.f32 v19, v15;
	v22 =	vld [tilespmem:s23+$0x4C80]  }
0x187: {  	v19 =	vmul.f32 v24, v20;
	v20 =	vmul.f32 v25, v28;
	v23 =	vld [tilespmem:s23+$0xC90]  }
0x188: {  	v28 =	vmul.f32 v33, v32;
	v29 =	vmul.f32 v35, v34;
	v24 =	vld [tilespmem:s23+$0x8C40];
	(xrf2) =	vadd.scan.msk.f32 $0xffff, v15  }
0x189: {  	v15 =	vadd.f32 v20, v19;
	v25 =	vld [tilespmem:s23+$0x8C50]  }
0x18a: {  	v19 =	vmul.f32 v26, v28;
	v26 =	vmul.f32 v27, v29;
	v20 =	vld [tilespmem:s23+$0xC60]  }
0x18b: {  	v27 =	vmul.f32 v41, v40;
	v28 =	vmul.f32 v43, v42;
	v31 =	vld [tilespmem:s23+$0x4C60];
	(xrf2) =	vadd.scan.msk.f32 $0xffff, v15  }
0x18c: {  	v15 =	vadd.f32 v26, v19;
	v33 =	vld [tilespmem:s23+$0xC70]  }
0x18d: {  	v28 =	vmul.f32 v37, v28;
	v19 =	vmul.f32 v36, v27;
	v34 =	vld [tilespmem:s23+$0x4C70]  }
0x18e: {  	v30 =	vmul.f32 v47, v46;
	v29 =	vmul.f32 v45, v44;
	v26 =	vld [tilespmem:s23+$0x8C00];
	(xrf2) =	vadd.scan.msk.f32 $0xffff, v15  }
0x18f: {  	v32 =	vadd.f32 v28, v19;
	v27 =	vld [tilespmem:s23+$0x8C10]  }
0x190: {  	v19 =	vmul.f32 v38, v29;
	v28 =	vmul.f32 v39, v30;
	v37 =	vld [tilespmem:s23+$0xC40]  }
0x191: {  	v29 =	vmul.f32 v53, v52;
	v30 =	vmul.f32 v55, v54;
	v38 =	vld [tilespmem:s23+$0x4C40];
	(xrf2) =	vadd.scan.msk.f32 $0xffff, v32  }
0x192: {  	v42 =	vadd.f32 v28, v19;
	v39 =	vld [tilespmem:s23+$0xC50];
	v15, _, _ =	vpop (xrf2)  }
0x193: {  	v30 =	vmul.f32 v49, v30;
	v32 =	vmul.f32 v48, v29;
	v40 =	vld [tilespmem:s23+$0x4C50]  }
0x194: {  	v35 =	vmul.f32 v57, v56;
	v36 =	vmul.f32 v59, v58;
	v28 =	vld [tilespmem:s23+$0x4C00];
	(xrf2) =	vadd.scan.msk.f32 $0xffff, v42  }
0x195: {  	v41 =	vadd.f32 v30, v32;
	v29 =	vld [tilespmem:s23+$0xC00];
	v19, _, _ =	vpop (xrf2)  }
.Ltmp1:
0x196: {  	v35 =	vmul.f32 v50, v35;
	v36 =	vmul.f32 v51, v36;
	v30 =	vld [tilespmem:s23+$0xC10];
	(pc) =	sbr.rel @p0 .LBB2_4-.Ltmp1, $4  }
0x197: {  	v34 =	vmul.f32 v34, v33;
	v42 =	vmul.f32 v31, v20;
	v32 =	vld [tilespmem:s23+$0x4C10];
	(xrf2) =	vadd.scan.msk.f32 $0xffff, v41  }
0x198: {  	v41 =	vadd.f32 v36, v35;
	v31 =	vld [tilespmem:s23+$0xC20];
	v20, _, _ =	vpop (xrf2)  }
0x199: {  	v35 =	vmul.f32 v60, v42;
	v36 =	vmul.f32 v61, v34;
	v33 =	vld [tilespmem:s23+$0x4C20]  }
0x19a: {  	s24 =	sadd.s32 $0x800, s24;
	v37 =	vmul.f32 v38, v37;
	v38 =	vmul.f32 v40, v39;
	v34 =	vld [tilespmem:s23+$0xC30];
	(xrf2) =	vadd.scan.msk.f32 $0xffff, v41  }
0x19b: {  	v39 =	vld [tilespmem:s23+$0x4C30]  }
0x19c: {  	v40 =	vld [tilespmem:s23+$0x8C20]  }
0x19d: {  	v41 =	vld [tilespmem:s23+$0x8C30]  }
0x19e: {  	v51 =	vld [tilespmem:s23+$0x4C90];
	v28 =	vmul.f32 v28, v29;
	v24 =	vmul.f32 v24, v37  }
0x19f: {  	v53 =	vld [tilespmem:s23+$0x8C80];
	v25 =	vmul.f32 v25, v38;
	v52 =	vmul.f32 v32, v30  }
0x1a0: {  	v55 =	vld [tilespmem:s23+$0x8C90];
	v31 =	vmul.f32 v33, v31;
	v54 =	vmul.f32 v39, v34  }
0x1a1: {  	v56 =	vadd.f32 v36, v35;
	v57 =	vld [tilespmem:s23+$0x4CF0];
	v26 =	vmul.f32 v26, v28;
	v27 =	vmul.f32 v27, v52  }
0x1a2: {  	v60 =	vld [tilespmem:s23+$0x8CE0];
	v24 =	vadd.f32 v25, v24;
	v58 =	vmul.f32 v40, v31;
	v59 =	vmul.f32 v41, v54  }
0x1a3: {  	v21 =	vmul.f32 v22, v21;
	v62 =	vld [tilespmem:s23+$0x8CF0];
	(xrf2) =	vadd.scan.msk.f32 $0xffff, v56;
	v26 =	vadd.f32 v27, v26;
	v61 =	vmul.f32 v51, v23  }
0x1a4: {  	v29 =	vld [tilespmem:s23+$0x4D50];
	(xrf2) =	vadd.scan.msk.f32 $0xffff, v24;
	v63 =	vadd.f32 v59, v58  }
0x1a5: {  	v32 =	vld [tilespmem:s23+$0x8D40];
	v21 =	vmul.f32 v53, v21;
	(xrf2) =	vadd.scan.msk.f32 $0xffff, v26;
	v22 =	vmul.f32 v55, v61  }
0x1a6: {  	v16 =	vmul.f32 v17, v16;
	v33 =	vmul.f32 v57, v18;
	v34 =	vld [tilespmem:s23+$0x8D50];
	(xrf2) =	vadd.scan.msk.f32 $0xffff, v63  }
0x1a7: {  	v35 =	vld [tilespmem:s23+$0x4DB0];
	v21 =	vadd.f32 v22, v21  }
0x1a8: {  	v36 =	vld [tilespmem:s23+$0x8DA0];
	v16 =	vmul.f32 v60, v16;
	v17 =	vmul.f32 v62, v33  }
0x1a9: {  	v12 =	vmul.f32 v13, v12;
	v37, _, _ =	vpop (xrf2);
	v38 =	vmul.f32 v29, v14;
	v39 =	vld [tilespmem:s23+$0x8DB0];
	(xrf2) =	vadd.scan.msk.f32 $0xffff, v21  }
0x1aa: {  	v43 =	vld [tilespmem:s23+$0x4DF0];
	v40, _, _ =	vpop (xrf2);
	v16 =	vadd.f32 v17, v16  }
0x1ab: {  	v42, _, _ =	vpop (xrf2);
	v12 =	vmul.f32 v32, v12;
	v41 =	vld [tilespmem:s23+$0xDF0];
	v13 =	vmul.f32 v34, v38  }
0x1ac: {  	v9 =	vmul.f32 v10, v9;
	v45 =	vmul.f32 v35, v11;
	v44, _, _ =	vpop (xrf2);
	(xrf2) =	vadd.scan.msk.f32 $0xffff, v16  }
0x1ad: {  	v7 =	vmul.f32 v8, v7;
	v46, _, _ =	vpop (xrf2);
	v12 =	vadd.f32 v13, v12  }
0x1ae: {  	v47 =	vld [tilespmem:s23+$0x8DF0];
	v9 =	vmul.f32 v36, v9;
	v10 =	vmul.f32 v39, v45;
	v48, _, _ =	vpop (xrf2)  }
0x1af: {  	(xrf2) =	vadd.scan.msk.f32 $0xffff, v12;
	v49, _, _ =	vpop (xrf2)  }
0x1b0: {  	v6 =	vmul.f32 v6, v7;
	v9 =	vadd.f32 v10, v9;
	v7 =	vmul.f32 v43, v41;
	v50, _, _ =	vpop (xrf2)  }
0x1b1: {  	v51 =	vbroadcast v49, $0xF;
	v10 =	vbroadcast v50, $0xF  }
0x1b2: {  	(xrf2) =	vadd.scan.msk.f32 $0xffff, v9;
	v13 =	vbroadcast v48, $0xF  }
0x1b3: {  	v53 =	vbroadcast v46, $0xF;
	v7 =	vmul.f32 v47, v7;
	v54, _, _ =	vpop (xrf2);
	v52 =	vsel vm0, v51, v10  }
0x1b4: {  	v10 =	vbroadcast v54, $0xF;
	v8 =	vsel vm1, v52, v13  }
0x1b5: {  	v55 =	vbroadcast v44, $0xF;
	v6 =	vadd.f32 v7, v6;
	v7 =	vsel vm2, v8, v53  }
0x1b6: {  	v56 =	vbroadcast v42, $0xF;
	v57, _, _ =	vpop (xrf2);
	v7 =	vsel vm3, v7, v10  }
0x1b7: {  	(xrf2) =	vadd.scan.msk.f32 $0xffff, v6;
	v6 =	vsel vm4, v7, v55;
	v7 =	vbroadcast v57, $0xF  }
0x1b8: {  	v58 =	vbroadcast v40, $0xF;
	v6 =	vsel vm5, v6, v56  }
0x1b9: {  	v59, _, _ =	vpop (xrf2);
	v6 =	vsel vm6, v6, v7;
	v7 =	vbroadcast v37, $0xF  }
0x1ba: {  	v60 =	vbroadcast v59, $0xF;
	v6 =	vsel vm7, v6, v58  }
0x1bb: {  	v6 =	vsel vm8, v6, v7;
	v7 =	vbroadcast v20, $0xF  }
0x1bc: {  	v62, _, _ =	vpop (xrf2);
	v6 =	vsel vm9, v6, v60  }
0x1bd: {  	v61 =	vbroadcast v19, $0xF;
	v6 =	vsel vm10, v6, v7;
	v7 =	vbroadcast v62, $0xF;
	_ =	sdelay $0x1  }
0x1be: {  	v63 =	vbroadcast v15, $0xF;
	v6 =	vsel vm11, v6, v61  }
0x1bf: {  	v6 =	vsel vm12, v6, v7  }
0x1c0: {  	s21 =	sadd.s32 $0x1, s21;
	v6 =	vsel vm13, v6, v63;
	v7, _, _ =	vpop (xrf2)  }
0x1c1: {  	s22 =	sadd.s32 $0x10, s22;
	p0 =	sne.s32 s21, s8;
	v6 =	vsel vm14, v6, v7  }
.Ltmp2:
0x1c2: {  	[tilespmem:s22+$0x0] =	vst v6;
	(pc) =	sbr.rel @p0 .LBB2_1-.Ltmp2, $4  }
0x1c3: {  	[hbm4b:s7+s2] =	stream.linear.scatter [tilespmem:s20], [sflag:$0x4], $0x200, $0x38;
	[tilespmem:$0xCE00] =	vst v63  }
0x1c4: {  	_ =	swait.ge [sflag:s9], $0x200  }
0x1c5: {  	[sflag:s9] =	ssyncset.done $0x0  }
0x1c6: {  	[sflag:s9] =	ssyncadd.s32 $0xFFFFFE00  }
0x1c7: {  	_ =	sfence.sel $0x180000  }
0x1c8: {  	[bflag:$0x0] =	sbarrier.arrive $0xFFFF  }
0x1c9: {  	p0 =	sne.s32 s0, $0x0;
	_ =	strace $0x90000047  }
0x1ca: {  	s0 =	sadd.s32 @!p0 $0x100000, s1;
	[bflag:$0x2] =	sbarrier.arrive $0xFFFF  }
0x1cb: {  	[sflag:s0] =	ssyncadd.tile.s32 @!p0 $0x1;
	_ =	shalt  }
.Lfunc_end2:
_tile_overlayer_lowered:
.L_overlay_start_2:
0x1cc: {  	(tag) =	ssettag $0x2  }
0x1cd: {  	s0 =	rddreg [dreg:$0x0];
	s2 =	stileid.u32  }
0x1ce: {  	s1 =	rddreg [dreg:$0x1];
	p0 =	sne.s32 s2, $0x0  }
0x1cf: {  	s3 =	rddreg [dreg:$0x2];
	[bflag:$0x3] =	sbarrier.arrive $0xFFFF;
	s2 =	simm.s32 @!p0 $0x1C04  }
0x1d0: {  	[timem:s3], [sflag:s2] =	dma.local @!p0 [hbm:s0], s1  }
0x1d1: {  	s0 =	simm.s32 @!p0 $0x4  }
0x1d2: {  	_ =	swait.ge @!p0 [sflag:s0], s1  }
0x1d3: {  	s1 =	ssub.s32 @!p0 $0x0, s1;
	[sflag:s0] =	ssyncset.done @!p0 $0x0  }
0x1d4: {  	[sflag:s0] =	ssyncadd.s32 @!p0 s1  }
0x1d5: {  	[bflag:$0x3] =	sbarrier.arrive $0xFFFF  }
0x1d6: {  	_ =	shalt  }

</sc_bundles>
